<compile_context>
chip_gen: v7x
topology: tpu7x:2x2x1
jax: 0.10.2.dev20260603
libtpu: 0.0.44.dev20260713+nightly
codegen_flags: <defaults>
</compile_context>

<pallas_src>
import dataclasses

import jax
import jax.numpy as jnp
from jax import lax
from jax.experimental import pallas as pl
from jax.experimental.pallas import tpu as pltpu
from jax.experimental.pallas import tpu_sc as plsc

EMB_DIM = 32
PACK = 128 // EMB_DIM
NC = 2
NS = 16
NW = NC * NS
WIN = 128
QTR = WIN // 4
LANES = 16

XROWS_PER_W = 4096 // NW
SUP_XROWS = 16
SUP_IDX = SUP_XROWS * 200
SUP_WINS = SUP_IDX // WIN
N_SUP = XROWS_PER_W // SUP_XROWS

_mesh = plsc.VectorSubcoreMesh(core_axis_name="c", subcore_axis_name="s")

_cp = pltpu.CompilerParams()
if "needs_layout_passes" in pltpu.CompilerParams.__dataclass_fields__:
    _cp = dataclasses.replace(_cp, needs_layout_passes=False)

_CHUNKS = tuple(range(0, 184, 16)) + (184,)


def _gather_sc(dense, x, b, h):
    num_idx = b * h

    @pl.kernel(
        out_type=jax.ShapeDtypeStruct((b, h, EMB_DIM), jnp.float32),
        mesh=_mesh,
        compiler_params=_cp,
        scratch_types=[
            pltpu.VMEM((8, 200), jnp.int32),
            pltpu.VMEM((1, SUP_IDX), jnp.int32),
            pltpu.VMEM((1, SUP_IDX), jnp.int32),
            pltpu.VMEM((QTR, PACK * EMB_DIM), jnp.float32),
            pltpu.VMEM((QTR, PACK * EMB_DIM), jnp.float32),
            pltpu.VMEM((WIN, EMB_DIM), jnp.float32),
            pltpu.SemaphoreType.DMA,
            pltpu.SemaphoreType.DMA,
            pltpu.SemaphoreType.DMA,
        ],
    )
    def k(tab_hbm, x_hbm, out3d, xv, qf, cf, hA, hB, r32,
          semA, semB, semO):
        out_hbm = out3d.reshape(num_idx, EMB_DIM)
        wid = lax.axis_index("s") * NC + lax.axis_index("c")
        xrow0 = wid * XROWS_PER_W
        out0 = wid * (XROWS_PER_W * 200)
        iota = lax.broadcasted_iota(jnp.int32, (LANES,), 0)

        def extract(hX, r32, cbase, u):
            @pl.loop(0, QTR)
            def _(r):
                rvec = jnp.full((LANES,), r, jnp.int32)
                colb = plsc.load_gather(cf.at[0], [cbase + u * QTR + rvec])
                lo = plsc.load_gather(hX, [rvec, colb + iota])
                hi = plsc.load_gather(hX, [rvec, colb + iota + LANES])
                r32[u * QTR + r, pl.ds(0, LANES)] = lo
                r32[u * QTR + r, pl.ds(LANES, LANES)] = hi

        @pl.loop(0, N_SUP)
        def _(s):
            for bb in range(2):
                pltpu.sync_copy(
                    x_hbm.at[pl.ds(xrow0 + s * SUP_XROWS + bb * 8, 8)], xv
                )

                @pl.loop(0, 8)
                def _(r):
                    for c in _CHUNKS:
                        v = xv[r, pl.ds(c, LANES)]
                        o = bb * 1600 + r * 200 + c
                        qf[0, pl.ds(o, LANES)] = v >> 2
                        cf[0, pl.ds(o, LANES)] = (v & 3) << 5

            @pl.loop(0, SUP_WINS)
            def _(j):
                base = j * WIN
                orow = out0 + s * SUP_IDX + j * WIN

                def g(u, hX, sem):
                    return pltpu.async_copy(
                        tab_hbm.at[qf.at[0, pl.ds(base + u * QTR, QTR)]],
                        hX, sem)

                cp0 = g(0, hA, semA)
                cp1 = g(1, hB, semB)
                cp0.wait()

                @pl.when(s + j > 0)
                def _():
                    pltpu.make_async_copy(
                        r32, out_hbm.at[pl.ds(0, WIN)], semO
                    ).wait()

                extract(hA, r32, base, 0)
                cp2 = g(2, hA, semA)
                cp1.wait()
                extract(hB, r32, base, 1)
                cp3 = g(3, hB, semB)
                cp2.wait()
                extract(hA, r32, base, 2)
                cp3.wait()
                extract(hB, r32, base, 3)
                pltpu.async_copy(r32, out_hbm.at[pl.ds(orow, WIN)], semO)

        pltpu.make_async_copy(r32, out_hbm.at[pl.ds(0, WIN)], semO).wait()

    return k(dense, x)


def kernel(x, table):
    b, h = x.shape
    dense = table.reshape(table.shape[0] // PACK, PACK * EMB_DIM)
    return _gather_sc(dense, x, b, h)

# --- scband reference (transcript-rebuilt; emitter-appended) ---
"""Pipeline reference for scband-word-embedder-4690104287319 (READ-ONLY COPY).

The authoritative reference and input builder live on the scoring server;
editing this copy changes nothing except your own understanding.
"""

import jax, jax.numpy as jnp
import numpy as np

VOCAB = 1000000
EMB_DIM = 32
BATCH = 4096
HIST = 200


def setup_inputs(seed: int = 0) -> dict:
    key = jax.random.key(seed)
    k1, k2 = jax.random.split(key)
    # pretrained embedding table (init_emb in the torch module)
    table = jax.random.normal(k1, (VOCAB, EMB_DIM), dtype=jnp.float32)
    # token indices
    x = jax.random.randint(k2, (BATCH, HIST), 0, VOCAB, dtype=jnp.int32)
    return {"x": x, "table": table}


def reference(x, table):
    # nn.Embedding forward: row gather from the table
    return jnp.take(table, x, axis=0)

if __name__ == "__main__":
    import jax
    _d = setup_inputs()
    print(jax.jit(kernel)(*tuple(_d.values())))

</pallas_src>

<mosaic_0001>
#map = affine_map<(d0, d1) -> (0, 0)>
#map1 = affine_map<(d0, d1) -> (0, 0, 0)>
module attributes {stable_mosaic.version = 14 : i64} {
  func.func @k(%arg0: i32, %arg1: i32, %arg2: memref<250000x128xf32, #tpu.memory_space<hbm>>, %arg3: memref<4096x200xi32, #tpu.memory_space<hbm>>, %arg4: memref<4096x200x32xf32, #tpu.memory_space<hbm>>, %arg5: memref<8x200xi32, #tpu.memory_space<vmem>>, %arg6: memref<1x3200xi32, #tpu.memory_space<vmem>>, %arg7: memref<1x3200xi32, #tpu.memory_space<vmem>>, %arg8: memref<32x128xf32, #tpu.memory_space<vmem>>, %arg9: memref<32x128xf32, #tpu.memory_space<vmem>>, %arg10: memref<128x32xf32, #tpu.memory_space<vmem>>, %arg11: memref<!tpu.dma_semaphore, #tpu.memory_space<semaphore_mem>>, %arg12: memref<!tpu.dma_semaphore, #tpu.memory_space<semaphore_mem>>, %arg13: memref<!tpu.dma_semaphore, #tpu.memory_space<semaphore_mem>>) attributes {dimension_semantics = [#tpu.dimension_semantics<core_parallel>, #tpu.dimension_semantics<subcore_parallel>], iteration_bounds = array<i64: 2, 16>, scalar_prefetch = 0 : i64, scratch_operands = 9 : i64, tpu.core_type = #tpu.core_type<sc_vector_subcore>, window_params = [{transform_indices = #map}, {transform_indices = #map}, {transform_indices = #map1}]} {
    %mul3A = arith.constant 2 : i32
    %mul3A_0 = arith.muli %arg1, %mul3A : i32
    %add3A = arith.addi %mul3A_0, %arg0 : i32
    %mul3A_1 = arith.constant 128 : i32
    %mul3A_2 = arith.muli %add3A, %mul3A_1 : i32
    %mul3A_3 = arith.constant 25600 : i32
    %mul3A_4 = arith.muli %add3A, %mul3A_3 : i32
    %iota3A = tpu.iota {dimensions = array<i32: 0>} : vector<16xi32>
    %scan3A = arith.constant 0 : i32
    %scan3A_5 = arith.constant 8 : i32
    %scan3A_6 = arith.addi %scan3A, %scan3A_5 : i32
    %scan3A_7 = arith.constant 1 : i32
    scf.for %scan3A_16 = %scan3A to %scan3A_6 step %scan3A_7  : i32 {
      %mul3A_17 = arith.constant 1 : i32
      %mul3A_18 = arith.muli %scan3A_16, %mul3A_17 : i32
      %add3A_19 = arith.constant 0 : i32
      %add3A_20 = arith.addi %add3A_19, %mul3A_18 : i32
      %mul3A_21 = arith.constant 16 : i32
      %mul3A_22 = arith.muli %add3A_20, %mul3A_21 : i32
      %add3A_23 = arith.addi %mul3A_2, %mul3A_22 : i32
      %add3A_24 = arith.constant 0 : i32
      %add3A_25 = arith.addi %add3A_23, %add3A_24 : i32
      "tpu.region"() ({
        %run_scoped3A = tpu.sem_alloc : memref<!tpu.dma_semaphore, #tpu.memory_space<semaphore_mem>>
        %dma_start3A = arith.constant 0 : i32
        %dma_start3A_46 = tpu.memref_slice %arg3[%add3A_25, %dma_start3A] : memref<4096x200xi32, #tpu.memory_space<hbm>> -> memref<8x200xi32, #tpu.memory_space<hbm>>
        %dma_start3A_47 = arith.constant 0 : i32
        %dma_start3A_48 = tpu.memref_slice %arg3[%add3A_25, %dma_start3A_47] : memref<4096x200xi32, #tpu.memory_space<hbm>> -> memref<8x200xi32, #tpu.memory_space<hbm>>
        tpu.enqueue_dma source(%dma_start3A_48 : memref<8x200xi32, #tpu.memory_space<hbm>>) target(%arg5 : memref<8x200xi32, #tpu.memory_space<vmem>>) target_semaphore(%run_scoped3A : memref<!tpu.dma_semaphore, #tpu.memory_space<semaphore_mem>>)
        %dma_wait3A_49 = arith.constant 0 : i32
        %dma_wait3A_50 = tpu.memref_slice %arg3[%add3A_25, %dma_wait3A_49] : memref<4096x200xi32, #tpu.memory_space<hbm>> -> memref<8x200xi32, #tpu.memory_space<hbm>>
        %dma_wait3A_51 = arith.constant 0 : i32
        %dma_wait3A_52 = tpu.memref_slice %arg3[%add3A_25, %dma_wait3A_51] : memref<4096x200xi32, #tpu.memory_space<hbm>> -> memref<8x200xi32, #tpu.memory_space<hbm>>
        tpu.wait_dma2 semaphore(%run_scoped3A : memref<!tpu.dma_semaphore, #tpu.memory_space<semaphore_mem>>) src(%dma_wait3A_52 : memref<8x200xi32, #tpu.memory_space<hbm>>) dst(%arg5 : memref<8x200xi32, #tpu.memory_space<vmem>>)
        tpu.yield
      }) : () -> ()
      %scan3A_26 = arith.constant 0 : i32
      %scan3A_27 = arith.constant 8 : i32
      %scan3A_28 = arith.addi %scan3A_26, %scan3A_27 : i32
      %scan3A_29 = arith.constant 1 : i32
      scf.for %scan3A_46 = %scan3A_26 to %scan3A_28 step %scan3A_29  : i32 {
        %mul3A_47 = arith.constant 1 : i32
        %mul3A_48 = arith.muli %scan3A_46, %mul3A_47 : i32
        %add3A_49 = arith.constant 0 : i32
        %add3A_50 = arith.addi %add3A_49, %mul3A_48 : i32
        %get3A = arith.index_cast %add3A_50 : i32 to index
        %get3A_51 = arith.constant 0 : index
        %get3A_52 = tpu.vector_load %arg5[%get3A, %get3A_51] {strides = array<i32>} : memref<8x200xi32, #tpu.memory_space<vmem>>, vector<16xi32>,
        %mul3A_53 = arith.constant 200 : i32
        %mul3A_54 = arith.muli %add3A_50, %mul3A_53 : i32
        %add3A_55 = arith.constant 0 : i32
        %add3A_56 = arith.addi %add3A_55, %mul3A_54 : i32
        %add3A_57 = arith.constant 0 : i32
        %add3A_58 = arith.addi %add3A_56, %add3A_57 : i32
        %shift_right_arithmetic3A = arith.constant 2 : i32
        %shift_right_arithmetic3A_59 = vector.broadcast %shift_right_arithmetic3A : i32 to vector<16xi32>
        %shift_right_arithmetic3A_60 = arith.shrsi %get3A_52, %shift_right_arithmetic3A_59 : vector<16xi32>
        %swap3A = arith.constant 0 : i32
        %swap3A_61 = arith.index_cast %swap3A : i32 to index
        %swap3A_62 = arith.index_cast %add3A_58 : i32 to index
        %swap3A_63 = tpu.vector_load %arg6[%swap3A_61, %swap3A_62] {strides = array<i32>} : memref<1x3200xi32, #tpu.memory_space<vmem>>, vector<16xi32>,
        tpu.vector_store %arg6[%swap3A_61, %swap3A_62], %shift_right_arithmetic3A_60 {strides = array<i32>} : memref<1x3200xi32, #tpu.memory_space<vmem>>, vector<16xi32>,
        %and3A = arith.constant 3 : i32
        %and3A_64 = vector.broadcast %and3A : i32 to vector<16xi32>
        %and3A_65 = arith.andi %get3A_52, %and3A_64 : vector<16xi32>
        %shift_left3A = arith.constant 5 : i32
        %shift_left3A_66 = vector.broadcast %shift_left3A : i32 to vector<16xi32>
        %shift_left3A_67 = arith.shli %and3A_65, %shift_left3A_66 : vector<16xi32>
        %swap3A_68 = arith.constant 0 : i32
        %swap3A_69 = arith.index_cast %swap3A_68 : i32 to index
        %swap3A_70 = arith.index_cast %add3A_58 : i32 to index
        %swap3A_71 = tpu.vector_load %arg7[%swap3A_69, %swap3A_70] {strides = array<i32>} : memref<1x3200xi32, #tpu.memory_space<vmem>>, vector<16xi32>,
        tpu.vector_store %arg7[%swap3A_69, %swap3A_70], %shift_left3A_67 {strides = array<i32>} : memref<1x3200xi32, #tpu.memory_space<vmem>>, vector<16xi32>,
        %get3A_72 = arith.index_cast %add3A_50 : i32 to index
        %get3A_73 = arith.constant 16 : index
        %get3A_74 = tpu.vector_load %arg5[%get3A_72, %get3A_73] {strides = array<i32>} : memref<8x200xi32, #tpu.memory_space<vmem>>, vector<16xi32>,
        %mul3A_75 = arith.constant 200 : i32
        %mul3A_76 = arith.muli %add3A_50, %mul3A_75 : i32
        %add3A_77 = arith.constant 0 : i32
        %add3A_78 = arith.addi %add3A_77, %mul3A_76 : i32
        %add3A_79 = arith.constant 16 : i32
        %add3A_80 = arith.addi %add3A_78, %add3A_79 : i32
        %shift_right_arithmetic3A_81 = arith.constant 2 : i32
        %shift_right_arithmetic3A_82 = vector.broadcast %shift_right_arithmetic3A_81 : i32 to vector<16xi32>
        %shift_right_arithmetic3A_83 = arith.shrsi %get3A_74, %shift_right_arithmetic3A_82 : vector<16xi32>
        %swap3A_84 = arith.constant 0 : i32
        %swap3A_85 = arith.index_cast %swap3A_84 : i32 to index
        %swap3A_86 = arith.index_cast %add3A_80 : i32 to index
        %swap3A_87 = tpu.vector_load %arg6[%swap3A_85, %swap3A_86] {strides = array<i32>} : memref<1x3200xi32, #tpu.memory_space<vmem>>, vector<16xi32>,
        tpu.vector_store %arg6[%swap3A_85, %swap3A_86], %shift_right_arithmetic3A_83 {strides = array<i32>} : memref<1x3200xi32, #tpu.memory_space<vmem>>, vector<16xi32>,
        %and3A_88 = arith.constant 3 : i32
        %and3A_89 = vector.broadcast %and3A_88 : i32 to vector<16xi32>
        %and3A_90 = arith.andi %get3A_74, %and3A_89 : vector<16xi32>
        %shift_left3A_91 = arith.constant 5 : i32
        %shift_left3A_92 = vector.broadcast %shift_left3A_91 : i32 to vector<16xi32>
        %shift_left3A_93 = arith.shli %and3A_90, %shift_left3A_92 : vector<16xi32>
        %swap3A_94 = arith.constant 0 : i32
        %swap3A_95 = arith.index_cast %swap3A_94 : i32 to index
        %swap3A_96 = arith.index_cast %add3A_80 : i32 to index
        %swap3A_97 = tpu.vector_load %arg7[%swap3A_95, %swap3A_96] {strides = array<i32>} : memref<1x3200xi32, #tpu.memory_space<vmem>>, vector<16xi32>,
        tpu.vector_store %arg7[%swap3A_95, %swap3A_96], %shift_left3A_93 {strides = array<i32>} : memref<1x3200xi32, #tpu.memory_space<vmem>>, vector<16xi32>,
        %get3A_98 = arith.index_cast %add3A_50 : i32 to index
        %get3A_99 = arith.constant 32 : index
        %get3A_100 = tpu.vector_load %arg5[%get3A_98, %get3A_99] {strides = array<i32>} : memref<8x200xi32, #tpu.memory_space<vmem>>, vector<16xi32>,
        %mul3A_101 = arith.constant 200 : i32
        %mul3A_102 = arith.muli %add3A_50, %mul3A_101 : i32
        %add3A_103 = arith.constant 0 : i32
        %add3A_104 = arith.addi %add3A_103, %mul3A_102 : i32
        %add3A_105 = arith.constant 32 : i32
        %add3A_106 = arith.addi %add3A_104, %add3A_105 : i32
        %shift_right_arithmetic3A_107 = arith.constant 2 : i32
        %shift_right_arithmetic3A_108 = vector.broadcast %shift_right_arithmetic3A_107 : i32 to vector<16xi32>
        %shift_right_arithmetic3A_109 = arith.shrsi %get3A_100, %shift_right_arithmetic3A_108 : vector<16xi32>
        %swap3A_110 = arith.constant 0 : i32
        %swap3A_111 = arith.index_cast %swap3A_110 : i32 to index
        %swap3A_112 = arith.index_cast %add3A_106 : i32 to index
        %swap3A_113 = tpu.vector_load %arg6[%swap3A_111, %swap3A_112] {strides = array<i32>} : memref<1x3200xi32, #tpu.memory_space<vmem>>, vector<16xi32>,
        tpu.vector_store %arg6[%swap3A_111, %swap3A_112], %shift_right_arithmetic3A_109 {strides = array<i32>} : memref<1x3200xi32, #tpu.memory_space<vmem>>, vector<16xi32>,
        %and3A_114 = arith.constant 3 : i32
        %and3A_115 = vector.broadcast %and3A_114 : i32 to vector<16xi32>
        %and3A_116 = arith.andi %get3A_100, %and3A_115 : vector<16xi32>
        %shift_left3A_117 = arith.constant 5 : i32
        %shift_left3A_118 = vector.broadcast %shift_left3A_117 : i32 to vector<16xi32>
        %shift_left3A_119 = arith.shli %and3A_116, %shift_left3A_118 : vector<16xi32>
        %swap3A_120 = arith.constant 0 : i32
        %swap3A_121 = arith.index_cast %swap3A_120 : i32 to index
        %swap3A_122 = arith.index_cast %add3A_106 : i32 to index
        %swap3A_123 = tpu.vector_load %arg7[%swap3A_121, %swap3A_122] {strides = array<i32>} : memref<1x3200xi32, #tpu.memory_space<vmem>>, vector<16xi32>,
        tpu.vector_store %arg7[%swap3A_121, %swap3A_122], %shift_left3A_119 {strides = array<i32>} : memref<1x3200xi32, #tpu.memory_space<vmem>>, vector<16xi32>,
        %get3A_124 = arith.index_cast %add3A_50 : i32 to index
        %get3A_125 = arith.constant 48 : index
        %get3A_126 = tpu.vector_load %arg5[%get3A_124, %get3A_125] {strides = array<i32>} : memref<8x200xi32, #tpu.memory_space<vmem>>, vector<16xi32>,
        %mul3A_127 = arith.constant 200 : i32
        %mul3A_128 = arith.muli %add3A_50, %mul3A_127 : i32
        %add3A_129 = arith.constant 0 : i32
        %add3A_130 = arith.addi %add3A_129, %mul3A_128 : i32
        %add3A_131 = arith.constant 48 : i32
        %add3A_132 = arith.addi %add3A_130, %add3A_131 : i32
        %shift_right_arithmetic3A_133 = arith.constant 2 : i32
        %shift_right_arithmetic3A_134 = vector.broadcast %shift_right_arithmetic3A_133 : i32 to vector<16xi32>
        %shift_right_arithmetic3A_135 = arith.shrsi %get3A_126, %shift_right_arithmetic3A_134 : vector<16xi32>
        %swap3A_136 = arith.constant 0 : i32
        %swap3A_137 = arith.index_cast %swap3A_136 : i32 to index
        %swap3A_138 = arith.index_cast %add3A_132 : i32 to index
        %swap3A_139 = tpu.vector_load %arg6[%swap3A_137, %swap3A_138] {strides = array<i32>} : memref<1x3200xi32, #tpu.memory_space<vmem>>, vector<16xi32>,
        tpu.vector_store %arg6[%swap3A_137, %swap3A_138], %shift_right_arithmetic3A_135 {strides = array<i32>} : memref<1x3200xi32, #tpu.memory_space<vmem>>, vector<16xi32>,
        %and3A_140 = arith.constant 3 : i32
        %and3A_141 = vector.broadcast %and3A_140 : i32 to vector<16xi32>
        %and3A_142 = arith.andi %get3A_126, %and3A_141 : vector<16xi32>
        %shift_left3A_143 = arith.constant 5 : i32
        %shift_left3A_144 = vector.broadcast %shift_left3A_143 : i32 to vector<16xi32>
        %shift_left3A_145 = arith.shli %and3A_142, %shift_left3A_144 : vector<16xi32>
        %swap3A_146 = arith.constant 0 : i32
        %swap3A_147 = arith.index_cast %swap3A_146 : i32 to index
        %swap3A_148 = arith.index_cast %add3A_132 : i32 to index
        %swap3A_149 = tpu.vector_load %arg7[%swap3A_147, %swap3A_148] {strides = array<i32>} : memref<1x3200xi32, #tpu.memory_space<vmem>>, vector<16xi32>,
        tpu.vector_store %arg7[%swap3A_147, %swap3A_148], %shift_left3A_145 {strides = array<i32>} : memref<1x3200xi32, #tpu.memory_space<vmem>>, vector<16xi32>,
        %get3A_150 = arith.index_cast %add3A_50 : i32 to index
        %get3A_151 = arith.constant 64 : index
        %get3A_152 = tpu.vector_load %arg5[%get3A_150, %get3A_151] {strides = array<i32>} : memref<8x200xi32, #tpu.memory_space<vmem>>, vector<16xi32>,
        %mul3A_153 = arith.constant 200 : i32
        %mul3A_154 = arith.muli %add3A_50, %mul3A_153 : i32
        %add3A_155 = arith.constant 0 : i32
        %add3A_156 = arith.addi %add3A_155, %mul3A_154 : i32
        %add3A_157 = arith.constant 64 : i32
        %add3A_158 = arith.addi %add3A_156, %add3A_157 : i32
        %shift_right_arithmetic3A_159 = arith.constant 2 : i32
        %shift_right_arithmetic3A_160 = vector.broadcast %shift_right_arithmetic3A_159 : i32 to vector<16xi32>
        %shift_right_arithmetic3A_161 = arith.shrsi %get3A_152, %shift_right_arithmetic3A_160 : vector<16xi32>
        %swap3A_162 = arith.constant 0 : i32
        %swap3A_163 = arith.index_cast %swap3A_162 : i32 to index
        %swap3A_164 = arith.index_cast %add3A_158 : i32 to index
        %swap3A_165 = tpu.vector_load %arg6[%swap3A_163, %swap3A_164] {strides = array<i32>} : memref<1x3200xi32, #tpu.memory_space<vmem>>, vector<16xi32>,
        tpu.vector_store %arg6[%swap3A_163, %swap3A_164], %shift_right_arithmetic3A_161 {strides = array<i32>} : memref<1x3200xi32, #tpu.memory_space<vmem>>, vector<16xi32>,
        %and3A_166 = arith.constant 3 : i32
        %and3A_167 = vector.broadcast %and3A_166 : i32 to vector<16xi32>
        %and3A_168 = arith.andi %get3A_152, %and3A_167 : vector<16xi32>
        %shift_left3A_169 = arith.constant 5 : i32
        %shift_left3A_170 = vector.broadcast %shift_left3A_169 : i32 to vector<16xi32>
        %shift_left3A_171 = arith.shli %and3A_168, %shift_left3A_170 : vector<16xi32>
        %swap3A_172 = arith.constant 0 : i32
        %swap3A_173 = arith.index_cast %swap3A_172 : i32 to index
        %swap3A_174 = arith.index_cast %add3A_158 : i32 to index
        %swap3A_175 = tpu.vector_load %arg7[%swap3A_173, %swap3A_174] {strides = array<i32>} : memref<1x3200xi32, #tpu.memory_space<vmem>>, vector<16xi32>,
        tpu.vector_store %arg7[%swap3A_173, %swap3A_174], %shift_left3A_171 {strides = array<i32>} : memref<1x3200xi32, #tpu.memory_space<vmem>>, vector<16xi32>,
        %get3A_176 = arith.index_cast %add3A_50 : i32 to index
        %get3A_177 = arith.constant 80 : index
        %get3A_178 = tpu.vector_load %arg5[%get3A_176, %get3A_177] {strides = array<i32>} : memref<8x200xi32, #tpu.memory_space<vmem>>, vector<16xi32>,
        %mul3A_179 = arith.constant 200 : i32
        %mul3A_180 = arith.muli %add3A_50, %mul3A_179 : i32
        %add3A_181 = arith.constant 0 : i32
        %add3A_182 = arith.addi %add3A_181, %mul3A_180 : i32
        %add3A_183 = arith.constant 80 : i32
        %add3A_184 = arith.addi %add3A_182, %add3A_183 : i32
        %shift_right_arithmetic3A_185 = arith.constant 2 : i32
        %shift_right_arithmetic3A_186 = vector.broadcast %shift_right_arithmetic3A_185 : i32 to vector<16xi32>
        %shift_right_arithmetic3A_187 = arith.shrsi %get3A_178, %shift_right_arithmetic3A_186 : vector<16xi32>
        %swap3A_188 = arith.constant 0 : i32
        %swap3A_189 = arith.index_cast %swap3A_188 : i32 to index
        %swap3A_190 = arith.index_cast %add3A_184 : i32 to index
        %swap3A_191 = tpu.vector_load %arg6[%swap3A_189, %swap3A_190] {strides = array<i32>} : memref<1x3200xi32, #tpu.memory_space<vmem>>, vector<16xi32>,
        tpu.vector_store %arg6[%swap3A_189, %swap3A_190], %shift_right_arithmetic3A_187 {strides = array<i32>} : memref<1x3200xi32, #tpu.memory_space<vmem>>, vector<16xi32>,
        %and3A_192 = arith.constant 3 : i32
        %and3A_193 = vector.broadcast %and3A_192 : i32 to vector<16xi32>
        %and3A_194 = arith.andi %get3A_178, %and3A_193 : vector<16xi32>
        %shift_left3A_195 = arith.constant 5 : i32
        %shift_left3A_196 = vector.broadcast %shift_left3A_195 : i32 to vector<16xi32>
        %shift_left3A_197 = arith.shli %and3A_194, %shift_left3A_196 : vector<16xi32>
        %swap3A_198 = arith.constant 0 : i32
        %swap3A_199 = arith.index_cast %swap3A_198 : i32 to index
        %swap3A_200 = arith.index_cast %add3A_184 : i32 to index
        %swap3A_201 = tpu.vector_load %arg7[%swap3A_199, %swap3A_200] {strides = array<i32>} : memref<1x3200xi32, #tpu.memory_space<vmem>>, vector<16xi32>,
        tpu.vector_store %arg7[%swap3A_199, %swap3A_200], %shift_left3A_197 {strides = array<i32>} : memref<1x3200xi32, #tpu.memory_space<vmem>>, vector<16xi32>,
        %get3A_202 = arith.index_cast %add3A_50 : i32 to index
        %get3A_203 = arith.constant 96 : index
        %get3A_204 = tpu.vector_load %arg5[%get3A_202, %get3A_203] {strides = array<i32>} : memref<8x200xi32, #tpu.memory_space<vmem>>, vector<16xi32>,
        %mul3A_205 = arith.constant 200 : i32
        %mul3A_206 = arith.muli %add3A_50, %mul3A_205 : i32
        %add3A_207 = arith.constant 0 : i32
        %add3A_208 = arith.addi %add3A_207, %mul3A_206 : i32
        %add3A_209 = arith.constant 96 : i32
        %add3A_210 = arith.addi %add3A_208, %add3A_209 : i32
        %shift_right_arithmetic3A_211 = arith.constant 2 : i32
        %shift_right_arithmetic3A_212 = vector.broadcast %shift_right_arithmetic3A_211 : i32 to vector<16xi32>
        %shift_right_arithmetic3A_213 = arith.shrsi %get3A_204, %shift_right_arithmetic3A_212 : vector<16xi32>
        %swap3A_214 = arith.constant 0 : i32
        %swap3A_215 = arith.index_cast %swap3A_214 : i32 to index
        %swap3A_216 = arith.index_cast %add3A_210 : i32 to index
        %swap3A_217 = tpu.vector_load %arg6[%swap3A_215, %swap3A_216] {strides = array<i32>} : memref<1x3200xi32, #tpu.memory_space<vmem>>, vector<16xi32>,
        tpu.vector_store %arg6[%swap3A_215, %swap3A_216], %shift_right_arithmetic3A_213 {strides = array<i32>} : memref<1x3200xi32, #tpu.memory_space<vmem>>, vector<16xi32>,
        %and3A_218 = arith.constant 3 : i32
        %and3A_219 = vector.broadcast %and3A_218 : i32 to vector<16xi32>
        %and3A_220 = arith.andi %get3A_204, %and3A_219 : vector<16xi32>
        %shift_left3A_221 = arith.constant 5 : i32
        %shift_left3A_222 = vector.broadcast %shift_left3A_221 : i32 to vector<16xi32>
        %shift_left3A_223 = arith.shli %and3A_220, %shift_left3A_222 : vector<16xi32>
        %swap3A_224 = arith.constant 0 : i32
        %swap3A_225 = arith.index_cast %swap3A_224 : i32 to index
        %swap3A_226 = arith.index_cast %add3A_210 : i32 to index
        %swap3A_227 = tpu.vector_load %arg7[%swap3A_225, %swap3A_226] {strides = array<i32>} : memref<1x3200xi32, #tpu.memory_space<vmem>>, vector<16xi32>,
        tpu.vector_store %arg7[%swap3A_225, %swap3A_226], %shift_left3A_223 {strides = array<i32>} : memref<1x3200xi32, #tpu.memory_space<vmem>>, vector<16xi32>,
        %get3A_228 = arith.index_cast %add3A_50 : i32 to index
        %get3A_229 = arith.constant 112 : index
        %get3A_230 = tpu.vector_load %arg5[%get3A_228, %get3A_229] {strides = array<i32>} : memref<8x200xi32, #tpu.memory_space<vmem>>, vector<16xi32>,
        %mul3A_231 = arith.constant 200 : i32
        %mul3A_232 = arith.muli %add3A_50, %mul3A_231 : i32
        %add3A_233 = arith.constant 0 : i32
        %add3A_234 = arith.addi %add3A_233, %mul3A_232 : i32
        %add3A_235 = arith.constant 112 : i32
        %add3A_236 = arith.addi %add3A_234, %add3A_235 : i32
        %shift_right_arithmetic3A_237 = arith.constant 2 : i32
        %shift_right_arithmetic3A_238 = vector.broadcast %shift_right_arithmetic3A_237 : i32 to vector<16xi32>
        %shift_right_arithmetic3A_239 = arith.shrsi %get3A_230, %shift_right_arithmetic3A_238 : vector<16xi32>
        %swap3A_240 = arith.constant 0 : i32
        %swap3A_241 = arith.index_cast %swap3A_240 : i32 to index
        %swap3A_242 = arith.index_cast %add3A_236 : i32 to index
        %swap3A_243 = tpu.vector_load %arg6[%swap3A_241, %swap3A_242] {strides = array<i32>} : memref<1x3200xi32, #tpu.memory_space<vmem>>, vector<16xi32>,
        tpu.vector_store %arg6[%swap3A_241, %swap3A_242], %shift_right_arithmetic3A_239 {strides = array<i32>} : memref<1x3200xi32, #tpu.memory_space<vmem>>, vector<16xi32>,
        %and3A_244 = arith.constant 3 : i32
        %and3A_245 = vector.broadcast %and3A_244 : i32 to vector<16xi32>
        %and3A_246 = arith.andi %get3A_230, %and3A_245 : vector<16xi32>
        %shift_left3A_247 = arith.constant 5 : i32
        %shift_left3A_248 = vector.broadcast %shift_left3A_247 : i32 to vector<16xi32>
        %shift_left3A_249 = arith.shli %and3A_246, %shift_left3A_248 : vector<16xi32>
        %swap3A_250 = arith.constant 0 : i32
        %swap3A_251 = arith.index_cast %swap3A_250 : i32 to index
        %swap3A_252 = arith.index_cast %add3A_236 : i32 to index
        %swap3A_253 = tpu.vector_load %arg7[%swap3A_251, %swap3A_252] {strides = array<i32>} : memref<1x3200xi32, #tpu.memory_space<vmem>>, vector<16xi32>,
        tpu.vector_store %arg7[%swap3A_251, %swap3A_252], %shift_left3A_249 {strides = array<i32>} : memref<1x3200xi32, #tpu.memory_space<vmem>>, vector<16xi32>,
        %get3A_254 = arith.index_cast %add3A_50 : i32 to index
        %get3A_255 = arith.constant 128 : index
        %get3A_256 = tpu.vector_load %arg5[%get3A_254, %get3A_255] {strides = array<i32>} : memref<8x200xi32, #tpu.memory_space<vmem>>, vector<16xi32>,
        %mul3A_257 = arith.constant 200 : i32
        %mul3A_258 = arith.muli %add3A_50, %mul3A_257 : i32
        %add3A_259 = arith.constant 0 : i32
        %add3A_260 = arith.addi %add3A_259, %mul3A_258 : i32
        %add3A_261 = arith.constant 128 : i32
        %add3A_262 = arith.addi %add3A_260, %add3A_261 : i32
        %shift_right_arithmetic3A_263 = arith.constant 2 : i32
        %shift_right_arithmetic3A_264 = vector.broadcast %shift_right_arithmetic3A_263 : i32 to vector<16xi32>
        %shift_right_arithmetic3A_265 = arith.shrsi %get3A_256, %shift_right_arithmetic3A_264 : vector<16xi32>
        %swap3A_266 = arith.constant 0 : i32
        %swap3A_267 = arith.index_cast %swap3A_266 : i32 to index
        %swap3A_268 = arith.index_cast %add3A_262 : i32 to index
        %swap3A_269 = tpu.vector_load %arg6[%swap3A_267, %swap3A_268] {strides = array<i32>} : memref<1x3200xi32, #tpu.memory_space<vmem>>, vector<16xi32>,
        tpu.vector_store %arg6[%swap3A_267, %swap3A_268], %shift_right_arithmetic3A_265 {strides = array<i32>} : memref<1x3200xi32, #tpu.memory_space<vmem>>, vector<16xi32>,
        %and3A_270 = arith.constant 3 : i32
        %and3A_271 = vector.broadcast %and3A_270 : i32 to vector<16xi32>
        %and3A_272 = arith.andi %get3A_256, %and3A_271 : vector<16xi32>
        %shift_left3A_273 = arith.constant 5 : i32
        %shift_left3A_274 = vector.broadcast %shift_left3A_273 : i32 to vector<16xi32>
        %shift_left3A_275 = arith.shli %and3A_272, %shift_left3A_274 : vector<16xi32>
        %swap3A_276 = arith.constant 0 : i32
        %swap3A_277 = arith.index_cast %swap3A_276 : i32 to index
        %swap3A_278 = arith.index_cast %add3A_262 : i32 to index
        %swap3A_279 = tpu.vector_load %arg7[%swap3A_277, %swap3A_278] {strides = array<i32>} : memref<1x3200xi32, #tpu.memory_space<vmem>>, vector<16xi32>,
        tpu.vector_store %arg7[%swap3A_277, %swap3A_278], %shift_left3A_275 {strides = array<i32>} : memref<1x3200xi32, #tpu.memory_space<vmem>>, vector<16xi32>,
        %get3A_280 = arith.index_cast %add3A_50 : i32 to index
        %get3A_281 = arith.constant 144 : index
        %get3A_282 = tpu.vector_load %arg5[%get3A_280, %get3A_281] {strides = array<i32>} : memref<8x200xi32, #tpu.memory_space<vmem>>, vector<16xi32>,
        %mul3A_283 = arith.constant 200 : i32
        %mul3A_284 = arith.muli %add3A_50, %mul3A_283 : i32
        %add3A_285 = arith.constant 0 : i32
        %add3A_286 = arith.addi %add3A_285, %mul3A_284 : i32
        %add3A_287 = arith.constant 144 : i32
        %add3A_288 = arith.addi %add3A_286, %add3A_287 : i32
        %shift_right_arithmetic3A_289 = arith.constant 2 : i32
        %shift_right_arithmetic3A_290 = vector.broadcast %shift_right_arithmetic3A_289 : i32 to vector<16xi32>
        %shift_right_arithmetic3A_291 = arith.shrsi %get3A_282, %shift_right_arithmetic3A_290 : vector<16xi32>
        %swap3A_292 = arith.constant 0 : i32
        %swap3A_293 = arith.index_cast %swap3A_292 : i32 to index
        %swap3A_294 = arith.index_cast %add3A_288 : i32 to index
        %swap3A_295 = tpu.vector_load %arg6[%swap3A_293, %swap3A_294] {strides = array<i32>} : memref<1x3200xi32, #tpu.memory_space<vmem>>, vector<16xi32>,
        tpu.vector_store %arg6[%swap3A_293, %swap3A_294], %shift_right_arithmetic3A_291 {strides = array<i32>} : memref<1x3200xi32, #tpu.memory_space<vmem>>, vector<16xi32>,
        %and3A_296 = arith.constant 3 : i32
        %and3A_297 = vector.broadcast %and3A_296 : i32 to vector<16xi32>
        %and3A_298 = arith.andi %get3A_282, %and3A_297 : vector<16xi32>
        %shift_left3A_299 = arith.constant 5 : i32
        %shift_left3A_300 = vector.broadcast %shift_left3A_299 : i32 to vector<16xi32>
        %shift_left3A_301 = arith.shli %and3A_298, %shift_left3A_300 : vector<16xi32>
        %swap3A_302 = arith.constant 0 : i32
        %swap3A_303 = arith.index_cast %swap3A_302 : i32 to index
        %swap3A_304 = arith.index_cast %add3A_288 : i32 to index
        %swap3A_305 = tpu.vector_load %arg7[%swap3A_303, %swap3A_304] {strides = array<i32>} : memref<1x3200xi32, #tpu.memory_space<vmem>>, vector<16xi32>,
        tpu.vector_store %arg7[%swap3A_303, %swap3A_304], %shift_left3A_301 {strides = array<i32>} : memref<1x3200xi32, #tpu.memory_space<vmem>>, vector<16xi32>,
        %get3A_306 = arith.index_cast %add3A_50 : i32 to index
        %get3A_307 = arith.constant 160 : index
        %get3A_308 = tpu.vector_load %arg5[%get3A_306, %get3A_307] {strides = array<i32>} : memref<8x200xi32, #tpu.memory_space<vmem>>, vector<16xi32>,
        %mul3A_309 = arith.constant 200 : i32
        %mul3A_310 = arith.muli %add3A_50, %mul3A_309 : i32
        %add3A_311 = arith.constant 0 : i32
        %add3A_312 = arith.addi %add3A_311, %mul3A_310 : i32
        %add3A_313 = arith.constant 160 : i32
        %add3A_314 = arith.addi %add3A_312, %add3A_313 : i32
        %shift_right_arithmetic3A_315 = arith.constant 2 : i32
        %shift_right_arithmetic3A_316 = vector.broadcast %shift_right_arithmetic3A_315 : i32 to vector<16xi32>
        %shift_right_arithmetic3A_317 = arith.shrsi %get3A_308, %shift_right_arithmetic3A_316 : vector<16xi32>
        %swap3A_318 = arith.constant 0 : i32
        %swap3A_319 = arith.index_cast %swap3A_318 : i32 to index
        %swap3A_320 = arith.index_cast %add3A_314 : i32 to index
        %swap3A_321 = tpu.vector_load %arg6[%swap3A_319, %swap3A_320] {strides = array<i32>} : memref<1x3200xi32, #tpu.memory_space<vmem>>, vector<16xi32>,
        tpu.vector_store %arg6[%swap3A_319, %swap3A_320], %shift_right_arithmetic3A_317 {strides = array<i32>} : memref<1x3200xi32, #tpu.memory_space<vmem>>, vector<16xi32>,
        %and3A_322 = arith.constant 3 : i32
        %and3A_323 = vector.broadcast %and3A_322 : i32 to vector<16xi32>
        %and3A_324 = arith.andi %get3A_308, %and3A_323 : vector<16xi32>
        %shift_left3A_325 = arith.constant 5 : i32
        %shift_left3A_326 = vector.broadcast %shift_left3A_325 : i32 to vector<16xi32>
        %shift_left3A_327 = arith.shli %and3A_324, %shift_left3A_326 : vector<16xi32>
        %swap3A_328 = arith.constant 0 : i32
        %swap3A_329 = arith.index_cast %swap3A_328 : i32 to index
        %swap3A_330 = arith.index_cast %add3A_314 : i32 to index
        %swap3A_331 = tpu.vector_load %arg7[%swap3A_329, %swap3A_330] {strides = array<i32>} : memref<1x3200xi32, #tpu.memory_space<vmem>>, vector<16xi32>,
        tpu.vector_store %arg7[%swap3A_329, %swap3A_330], %shift_left3A_327 {strides = array<i32>} : memref<1x3200xi32, #tpu.memory_space<vmem>>, vector<16xi32>,
        %get3A_332 = arith.index_cast %add3A_50 : i32 to index
        %get3A_333 = arith.constant 176 : index
        %get3A_334 = tpu.vector_load %arg5[%get3A_332, %get3A_333] {strides = array<i32>} : memref<8x200xi32, #tpu.memory_space<vmem>>, vector<16xi32>,
        %mul3A_335 = arith.constant 200 : i32
        %mul3A_336 = arith.muli %add3A_50, %mul3A_335 : i32
        %add3A_337 = arith.constant 0 : i32
        %add3A_338 = arith.addi %add3A_337, %mul3A_336 : i32
        %add3A_339 = arith.constant 176 : i32
        %add3A_340 = arith.addi %add3A_338, %add3A_339 : i32
        %shift_right_arithmetic3A_341 = arith.constant 2 : i32
        %shift_right_arithmetic3A_342 = vector.broadcast %shift_right_arithmetic3A_341 : i32 to vector<16xi32>
        %shift_right_arithmetic3A_343 = arith.shrsi %get3A_334, %shift_right_arithmetic3A_342 : vector<16xi32>
        %swap3A_344 = arith.constant 0 : i32
        %swap3A_345 = arith.index_cast %swap3A_344 : i32 to index
        %swap3A_346 = arith.index_cast %add3A_340 : i32 to index
        %swap3A_347 = tpu.vector_load %arg6[%swap3A_345, %swap3A_346] {strides = array<i32>} : memref<1x3200xi32, #tpu.memory_space<vmem>>, vector<16xi32>,
        tpu.vector_store %arg6[%swap3A_345, %swap3A_346], %shift_right_arithmetic3A_343 {strides = array<i32>} : memref<1x3200xi32, #tpu.memory_space<vmem>>, vector<16xi32>,
        %and3A_348 = arith.constant 3 : i32
        %and3A_349 = vector.broadcast %and3A_348 : i32 to vector<16xi32>
        %and3A_350 = arith.andi %get3A_334, %and3A_349 : vector<16xi32>
        %shift_left3A_351 = arith.constant 5 : i32
        %shift_left3A_352 = vector.broadcast %shift_left3A_351 : i32 to vector<16xi32>
        %shift_left3A_353 = arith.shli %and3A_350, %shift_left3A_352 : vector<16xi32>
        %swap3A_354 = arith.constant 0 : i32
        %swap3A_355 = arith.index_cast %swap3A_354 : i32 to index
        %swap3A_356 = arith.index_cast %add3A_340 : i32 to index
        %swap3A_357 = tpu.vector_load %arg7[%swap3A_355, %swap3A_356] {strides = array<i32>} : memref<1x3200xi32, #tpu.memory_space<vmem>>, vector<16xi32>,
        tpu.vector_store %arg7[%swap3A_355, %swap3A_356], %shift_left3A_353 {strides = array<i32>} : memref<1x3200xi32, #tpu.memory_space<vmem>>, vector<16xi32>,
        %get3A_358 = arith.index_cast %add3A_50 : i32 to index
        %get3A_359 = arith.constant 184 : index
        %get3A_360 = tpu.vector_load %arg5[%get3A_358, %get3A_359] {strides = array<i32>} : memref<8x200xi32, #tpu.memory_space<vmem>>, vector<16xi32>,
        %mul3A_361 = arith.constant 200 : i32
        %mul3A_362 = arith.muli %add3A_50, %mul3A_361 : i32
        %add3A_363 = arith.constant 0 : i32
        %add3A_364 = arith.addi %add3A_363, %mul3A_362 : i32
        %add3A_365 = arith.constant 184 : i32
        %add3A_366 = arith.addi %add3A_364, %add3A_365 : i32
        %shift_right_arithmetic3A_367 = arith.constant 2 : i32
        %shift_right_arithmetic3A_368 = vector.broadcast %shift_right_arithmetic3A_367 : i32 to vector<16xi32>
        %shift_right_arithmetic3A_369 = arith.shrsi %get3A_360, %shift_right_arithmetic3A_368 : vector<16xi32>
        %swap3A_370 = arith.constant 0 : i32
        %swap3A_371 = arith.index_cast %swap3A_370 : i32 to index
        %swap3A_372 = arith.index_cast %add3A_366 : i32 to index
        %swap3A_373 = tpu.vector_load %arg6[%swap3A_371, %swap3A_372] {strides = array<i32>} : memref<1x3200xi32, #tpu.memory_space<vmem>>, vector<16xi32>,
        tpu.vector_store %arg6[%swap3A_371, %swap3A_372], %shift_right_arithmetic3A_369 {strides = array<i32>} : memref<1x3200xi32, #tpu.memory_space<vmem>>, vector<16xi32>,
        %and3A_374 = arith.constant 3 : i32
        %and3A_375 = vector.broadcast %and3A_374 : i32 to vector<16xi32>
        %and3A_376 = arith.andi %get3A_360, %and3A_375 : vector<16xi32>
        %shift_left3A_377 = arith.constant 5 : i32
        %shift_left3A_378 = vector.broadcast %shift_left3A_377 : i32 to vector<16xi32>
        %shift_left3A_379 = arith.shli %and3A_376, %shift_left3A_378 : vector<16xi32>
        %swap3A_380 = arith.constant 0 : i32
        %swap3A_381 = arith.index_cast %swap3A_380 : i32 to index
        %swap3A_382 = arith.index_cast %add3A_366 : i32 to index
        %swap3A_383 = tpu.vector_load %arg7[%swap3A_381, %swap3A_382] {strides = array<i32>} : memref<1x3200xi32, #tpu.memory_space<vmem>>, vector<16xi32>,
        tpu.vector_store %arg7[%swap3A_381, %swap3A_382], %shift_left3A_379 {strides = array<i32>} : memref<1x3200xi32, #tpu.memory_space<vmem>>, vector<16xi32>,
      }
      %scan3A_30 = arith.constant 8 : i32
      %mul3A_31 = arith.constant 16 : i32
      %mul3A_32 = arith.muli %add3A_20, %mul3A_31 : i32
      %add3A_33 = arith.addi %mul3A_2, %mul3A_32 : i32
      %add3A_34 = arith.constant 8 : i32
      %add3A_35 = arith.addi %add3A_33, %add3A_34 : i32
      "tpu.region"() ({
        %run_scoped3A = tpu.sem_alloc : memref<!tpu.dma_semaphore, #tpu.memory_space<semaphore_mem>>
        %dma_start3A = arith.constant 0 : i32
        %dma_start3A_46 = tpu.memref_slice %arg3[%add3A_35, %dma_start3A] : memref<4096x200xi32, #tpu.memory_space<hbm>> -> memref<8x200xi32, #tpu.memory_space<hbm>>
        %dma_start3A_47 = arith.constant 0 : i32
        %dma_start3A_48 = tpu.memref_slice %arg3[%add3A_35, %dma_start3A_47] : memref<4096x200xi32, #tpu.memory_space<hbm>> -> memref<8x200xi32, #tpu.memory_space<hbm>>
        tpu.enqueue_dma source(%dma_start3A_48 : memref<8x200xi32, #tpu.memory_space<hbm>>) target(%arg5 : memref<8x200xi32, #tpu.memory_space<vmem>>) target_semaphore(%run_scoped3A : memref<!tpu.dma_semaphore, #tpu.memory_space<semaphore_mem>>)
        %dma_wait3A_49 = arith.constant 0 : i32
        %dma_wait3A_50 = tpu.memref_slice %arg3[%add3A_35, %dma_wait3A_49] : memref<4096x200xi32, #tpu.memory_space<hbm>> -> memref<8x200xi32, #tpu.memory_space<hbm>>
        %dma_wait3A_51 = arith.constant 0 : i32
        %dma_wait3A_52 = tpu.memref_slice %arg3[%add3A_35, %dma_wait3A_51] : memref<4096x200xi32, #tpu.memory_space<hbm>> -> memref<8x200xi32, #tpu.memory_space<hbm>>
        tpu.wait_dma2 semaphore(%run_scoped3A : memref<!tpu.dma_semaphore, #tpu.memory_space<semaphore_mem>>) src(%dma_wait3A_52 : memref<8x200xi32, #tpu.memory_space<hbm>>) dst(%arg5 : memref<8x200xi32, #tpu.memory_space<vmem>>)
        tpu.yield
      }) : () -> ()
      %scan3A_36 = arith.constant 0 : i32
      %scan3A_37 = arith.constant 8 : i32
      %scan3A_38 = arith.addi %scan3A_36, %scan3A_37 : i32
      %scan3A_39 = arith.constant 1 : i32
      scf.for %scan3A_46 = %scan3A_36 to %scan3A_38 step %scan3A_39  : i32 {
        %mul3A_47 = arith.constant 1 : i32
        %mul3A_48 = arith.muli %scan3A_46, %mul3A_47 : i32
        %add3A_49 = arith.constant 0 : i32
        %add3A_50 = arith.addi %add3A_49, %mul3A_48 : i32
        %get3A = arith.index_cast %add3A_50 : i32 to index
        %get3A_51 = arith.constant 0 : index
        %get3A_52 = tpu.vector_load %arg5[%get3A, %get3A_51] {strides = array<i32>} : memref<8x200xi32, #tpu.memory_space<vmem>>, vector<16xi32>,
        %mul3A_53 = arith.constant 200 : i32
        %mul3A_54 = arith.muli %add3A_50, %mul3A_53 : i32
        %add3A_55 = arith.constant 1600 : i32
        %add3A_56 = arith.addi %add3A_55, %mul3A_54 : i32
        %add3A_57 = arith.constant 0 : i32
        %add3A_58 = arith.addi %add3A_56, %add3A_57 : i32
        %shift_right_arithmetic3A = arith.constant 2 : i32
        %shift_right_arithmetic3A_59 = vector.broadcast %shift_right_arithmetic3A : i32 to vector<16xi32>
        %shift_right_arithmetic3A_60 = arith.shrsi %get3A_52, %shift_right_arithmetic3A_59 : vector<16xi32>
        %swap3A = arith.constant 0 : i32
        %swap3A_61 = arith.index_cast %swap3A : i32 to index
        %swap3A_62 = arith.index_cast %add3A_58 : i32 to index
        %swap3A_63 = tpu.vector_load %arg6[%swap3A_61, %swap3A_62] {strides = array<i32>} : memref<1x3200xi32, #tpu.memory_space<vmem>>, vector<16xi32>,
        tpu.vector_store %arg6[%swap3A_61, %swap3A_62], %shift_right_arithmetic3A_60 {strides = array<i32>} : memref<1x3200xi32, #tpu.memory_space<vmem>>, vector<16xi32>,
        %and3A = arith.constant 3 : i32
        %and3A_64 = vector.broadcast %and3A : i32 to vector<16xi32>
        %and3A_65 = arith.andi %get3A_52, %and3A_64 : vector<16xi32>
        %shift_left3A = arith.constant 5 : i32
        %shift_left3A_66 = vector.broadcast %shift_left3A : i32 to vector<16xi32>
        %shift_left3A_67 = arith.shli %and3A_65, %shift_left3A_66 : vector<16xi32>
        %swap3A_68 = arith.constant 0 : i32
        %swap3A_69 = arith.index_cast %swap3A_68 : i32 to index
        %swap3A_70 = arith.index_cast %add3A_58 : i32 to index
        %swap3A_71 = tpu.vector_load %arg7[%swap3A_69, %swap3A_70] {strides = array<i32>} : memref<1x3200xi32, #tpu.memory_space<vmem>>, vector<16xi32>,
        tpu.vector_store %arg7[%swap3A_69, %swap3A_70], %shift_left3A_67 {strides = array<i32>} : memref<1x3200xi32, #tpu.memory_space<vmem>>, vector<16xi32>,
        %get3A_72 = arith.index_cast %add3A_50 : i32 to index
        %get3A_73 = arith.constant 16 : index
        %get3A_74 = tpu.vector_load %arg5[%get3A_72, %get3A_73] {strides = array<i32>} : memref<8x200xi32, #tpu.memory_space<vmem>>, vector<16xi32>,
        %mul3A_75 = arith.constant 200 : i32
        %mul3A_76 = arith.muli %add3A_50, %mul3A_75 : i32
        %add3A_77 = arith.constant 1600 : i32
        %add3A_78 = arith.addi %add3A_77, %mul3A_76 : i32
        %add3A_79 = arith.constant 16 : i32
        %add3A_80 = arith.addi %add3A_78, %add3A_79 : i32
        %shift_right_arithmetic3A_81 = arith.constant 2 : i32
        %shift_right_arithmetic3A_82 = vector.broadcast %shift_right_arithmetic3A_81 : i32 to vector<16xi32>
        %shift_right_arithmetic3A_83 = arith.shrsi %get3A_74, %shift_right_arithmetic3A_82 : vector<16xi32>
        %swap3A_84 = arith.constant 0 : i32
        %swap3A_85 = arith.index_cast %swap3A_84 : i32 to index
        %swap3A_86 = arith.index_cast %add3A_80 : i32 to index
        %swap3A_87 = tpu.vector_load %arg6[%swap3A_85, %swap3A_86] {strides = array<i32>} : memref<1x3200xi32, #tpu.memory_space<vmem>>, vector<16xi32>,
        tpu.vector_store %arg6[%swap3A_85, %swap3A_86], %shift_right_arithmetic3A_83 {strides = array<i32>} : memref<1x3200xi32, #tpu.memory_space<vmem>>, vector<16xi32>,
        %and3A_88 = arith.constant 3 : i32
        %and3A_89 = vector.broadcast %and3A_88 : i32 to vector<16xi32>
        %and3A_90 = arith.andi %get3A_74, %and3A_89 : vector<16xi32>
        %shift_left3A_91 = arith.constant 5 : i32
        %shift_left3A_92 = vector.broadcast %shift_left3A_91 : i32 to vector<16xi32>
        %shift_left3A_93 = arith.shli %and3A_90, %shift_left3A_92 : vector<16xi32>
        %swap3A_94 = arith.constant 0 : i32
        %swap3A_95 = arith.index_cast %swap3A_94 : i32 to index
        %swap3A_96 = arith.index_cast %add3A_80 : i32 to index
        %swap3A_97 = tpu.vector_load %arg7[%swap3A_95, %swap3A_96] {strides = array<i32>} : memref<1x3200xi32, #tpu.memory_space<vmem>>, vector<16xi32>,
        tpu.vector_store %arg7[%swap3A_95, %swap3A_96], %shift_left3A_93 {strides = array<i32>} : memref<1x3200xi32, #tpu.memory_space<vmem>>, vector<16xi32>,
        %get3A_98 = arith.index_cast %add3A_50 : i32 to index
        %get3A_99 = arith.constant 32 : index
        %get3A_100 = tpu.vector_load %arg5[%get3A_98, %get3A_99] {strides = array<i32>} : memref<8x200xi32, #tpu.memory_space<vmem>>, vector<16xi32>,
        %mul3A_101 = arith.constant 200 : i32
        %mul3A_102 = arith.muli %add3A_50, %mul3A_101 : i32
        %add3A_103 = arith.constant 1600 : i32
        %add3A_104 = arith.addi %add3A_103, %mul3A_102 : i32
        %add3A_105 = arith.constant 32 : i32
        %add3A_106 = arith.addi %add3A_104, %add3A_105 : i32
        %shift_right_arithmetic3A_107 = arith.constant 2 : i32
        %shift_right_arithmetic3A_108 = vector.broadcast %shift_right_arithmetic3A_107 : i32 to vector<16xi32>
        %shift_right_arithmetic3A_109 = arith.shrsi %get3A_100, %shift_right_arithmetic3A_108 : vector<16xi32>
        %swap3A_110 = arith.constant 0 : i32
        %swap3A_111 = arith.index_cast %swap3A_110 : i32 to index
        %swap3A_112 = arith.index_cast %add3A_106 : i32 to index
        %swap3A_113 = tpu.vector_load %arg6[%swap3A_111, %swap3A_112] {strides = array<i32>} : memref<1x3200xi32, #tpu.memory_space<vmem>>, vector<16xi32>,
        tpu.vector_store %arg6[%swap3A_111, %swap3A_112], %shift_right_arithmetic3A_109 {strides = array<i32>} : memref<1x3200xi32, #tpu.memory_space<vmem>>, vector<16xi32>,
        %and3A_114 = arith.constant 3 : i32
        %and3A_115 = vector.broadcast %and3A_114 : i32 to vector<16xi32>
        %and3A_116 = arith.andi %get3A_100, %and3A_115 : vector<16xi32>
        %shift_left3A_117 = arith.constant 5 : i32
        %shift_left3A_118 = vector.broadcast %shift_left3A_117 : i32 to vector<16xi32>
        %shift_left3A_119 = arith.shli %and3A_116, %shift_left3A_118 : vector<16xi32>
        %swap3A_120 = arith.constant 0 : i32
        %swap3A_121 = arith.index_cast %swap3A_120 : i32 to index
        %swap3A_122 = arith.index_cast %add3A_106 : i32 to index
        %swap3A_123 = tpu.vector_load %arg7[%swap3A_121, %swap3A_122] {strides = array<i32>} : memref<1x3200xi32, #tpu.memory_space<vmem>>, vector<16xi32>,
        tpu.vector_store %arg7[%swap3A_121, %swap3A_122], %shift_left3A_119 {strides = array<i32>} : memref<1x3200xi32, #tpu.memory_space<vmem>>, vector<16xi32>,
        %get3A_124 = arith.index_cast %add3A_50 : i32 to index
        %get3A_125 = arith.constant 48 : index
        %get3A_126 = tpu.vector_load %arg5[%get3A_124, %get3A_125] {strides = array<i32>} : memref<8x200xi32, #tpu.memory_space<vmem>>, vector<16xi32>,
        %mul3A_127 = arith.constant 200 : i32
        %mul3A_128 = arith.muli %add3A_50, %mul3A_127 : i32
        %add3A_129 = arith.constant 1600 : i32
        %add3A_130 = arith.addi %add3A_129, %mul3A_128 : i32
        %add3A_131 = arith.constant 48 : i32
        %add3A_132 = arith.addi %add3A_130, %add3A_131 : i32
        %shift_right_arithmetic3A_133 = arith.constant 2 : i32
        %shift_right_arithmetic3A_134 = vector.broadcast %shift_right_arithmetic3A_133 : i32 to vector<16xi32>
        %shift_right_arithmetic3A_135 = arith.shrsi %get3A_126, %shift_right_arithmetic3A_134 : vector<16xi32>
        %swap3A_136 = arith.constant 0 : i32
        %swap3A_137 = arith.index_cast %swap3A_136 : i32 to index
        %swap3A_138 = arith.index_cast %add3A_132 : i32 to index
        %swap3A_139 = tpu.vector_load %arg6[%swap3A_137, %swap3A_138] {strides = array<i32>} : memref<1x3200xi32, #tpu.memory_space<vmem>>, vector<16xi32>,
        tpu.vector_store %arg6[%swap3A_137, %swap3A_138], %shift_right_arithmetic3A_135 {strides = array<i32>} : memref<1x3200xi32, #tpu.memory_space<vmem>>, vector<16xi32>,
        %and3A_140 = arith.constant 3 : i32
        %and3A_141 = vector.broadcast %and3A_140 : i32 to vector<16xi32>
        %and3A_142 = arith.andi %get3A_126, %and3A_141 : vector<16xi32>
        %shift_left3A_143 = arith.constant 5 : i32
        %shift_left3A_144 = vector.broadcast %shift_left3A_143 : i32 to vector<16xi32>
        %shift_left3A_145 = arith.shli %and3A_142, %shift_left3A_144 : vector<16xi32>
        %swap3A_146 = arith.constant 0 : i32
        %swap3A_147 = arith.index_cast %swap3A_146 : i32 to index
        %swap3A_148 = arith.index_cast %add3A_132 : i32 to index
        %swap3A_149 = tpu.vector_load %arg7[%swap3A_147, %swap3A_148] {strides = array<i32>} : memref<1x3200xi32, #tpu.memory_space<vmem>>, vector<16xi32>,
        tpu.vector_store %arg7[%swap3A_147, %swap3A_148], %shift_left3A_145 {strides = array<i32>} : memref<1x3200xi32, #tpu.memory_space<vmem>>, vector<16xi32>,
        %get3A_150 = arith.index_cast %add3A_50 : i32 to index
        %get3A_151 = arith.constant 64 : index
        %get3A_152 = tpu.vector_load %arg5[%get3A_150, %get3A_151] {strides = array<i32>} : memref<8x200xi32, #tpu.memory_space<vmem>>, vector<16xi32>,
        %mul3A_153 = arith.constant 200 : i32
        %mul3A_154 = arith.muli %add3A_50, %mul3A_153 : i32
        %add3A_155 = arith.constant 1600 : i32
        %add3A_156 = arith.addi %add3A_155, %mul3A_154 : i32
        %add3A_157 = arith.constant 64 : i32
        %add3A_158 = arith.addi %add3A_156, %add3A_157 : i32
        %shift_right_arithmetic3A_159 = arith.constant 2 : i32
        %shift_right_arithmetic3A_160 = vector.broadcast %shift_right_arithmetic3A_159 : i32 to vector<16xi32>
        %shift_right_arithmetic3A_161 = arith.shrsi %get3A_152, %shift_right_arithmetic3A_160 : vector<16xi32>
        %swap3A_162 = arith.constant 0 : i32
        %swap3A_163 = arith.index_cast %swap3A_162 : i32 to index
        %swap3A_164 = arith.index_cast %add3A_158 : i32 to index
        %swap3A_165 = tpu.vector_load %arg6[%swap3A_163, %swap3A_164] {strides = array<i32>} : memref<1x3200xi32, #tpu.memory_space<vmem>>, vector<16xi32>,
        tpu.vector_store %arg6[%swap3A_163, %swap3A_164], %shift_right_arithmetic3A_161 {strides = array<i32>} : memref<1x3200xi32, #tpu.memory_space<vmem>>, vector<16xi32>,
        %and3A_166 = arith.constant 3 : i32
        %and3A_167 = vector.broadcast %and3A_166 : i32 to vector<16xi32>
        %and3A_168 = arith.andi %get3A_152, %and3A_167 : vector<16xi32>
        %shift_left3A_169 = arith.constant 5 : i32
        %shift_left3A_170 = vector.broadcast %shift_left3A_169 : i32 to vector<16xi32>
        %shift_left3A_171 = arith.shli %and3A_168, %shift_left3A_170 : vector<16xi32>
        %swap3A_172 = arith.constant 0 : i32
        %swap3A_173 = arith.index_cast %swap3A_172 : i32 to index
        %swap3A_174 = arith.index_cast %add3A_158 : i32 to index
        %swap3A_175 = tpu.vector_load %arg7[%swap3A_173, %swap3A_174] {strides = array<i32>} : memref<1x3200xi32, #tpu.memory_space<vmem>>, vector<16xi32>,
        tpu.vector_store %arg7[%swap3A_173, %swap3A_174], %shift_left3A_171 {strides = array<i32>} : memref<1x3200xi32, #tpu.memory_space<vmem>>, vector<16xi32>,
        %get3A_176 = arith.index_cast %add3A_50 : i32 to index
        %get3A_177 = arith.constant 80 : index
        %get3A_178 = tpu.vector_load %arg5[%get3A_176, %get3A_177] {strides = array<i32>} : memref<8x200xi32, #tpu.memory_space<vmem>>, vector<16xi32>,
        %mul3A_179 = arith.constant 200 : i32
        %mul3A_180 = arith.muli %add3A_50, %mul3A_179 : i32
        %add3A_181 = arith.constant 1600 : i32
        %add3A_182 = arith.addi %add3A_181, %mul3A_180 : i32
        %add3A_183 = arith.constant 80 : i32
        %add3A_184 = arith.addi %add3A_182, %add3A_183 : i32
        %shift_right_arithmetic3A_185 = arith.constant 2 : i32
        %shift_right_arithmetic3A_186 = vector.broadcast %shift_right_arithmetic3A_185 : i32 to vector<16xi32>
        %shift_right_arithmetic3A_187 = arith.shrsi %get3A_178, %shift_right_arithmetic3A_186 : vector<16xi32>
        %swap3A_188 = arith.constant 0 : i32
        %swap3A_189 = arith.index_cast %swap3A_188 : i32 to index
        %swap3A_190 = arith.index_cast %add3A_184 : i32 to index
        %swap3A_191 = tpu.vector_load %arg6[%swap3A_189, %swap3A_190] {strides = array<i32>} : memref<1x3200xi32, #tpu.memory_space<vmem>>, vector<16xi32>,
        tpu.vector_store %arg6[%swap3A_189, %swap3A_190], %shift_right_arithmetic3A_187 {strides = array<i32>} : memref<1x3200xi32, #tpu.memory_space<vmem>>, vector<16xi32>,
        %and3A_192 = arith.constant 3 : i32
        %and3A_193 = vector.broadcast %and3A_192 : i32 to vector<16xi32>
        %and3A_194 = arith.andi %get3A_178, %and3A_193 : vector<16xi32>
        %shift_left3A_195 = arith.constant 5 : i32
        %shift_left3A_196 = vector.broadcast %shift_left3A_195 : i32 to vector<16xi32>
        %shift_left3A_197 = arith.shli %and3A_194, %shift_left3A_196 : vector<16xi32>
        %swap3A_198 = arith.constant 0 : i32
        %swap3A_199 = arith.index_cast %swap3A_198 : i32 to index
        %swap3A_200 = arith.index_cast %add3A_184 : i32 to index
        %swap3A_201 = tpu.vector_load %arg7[%swap3A_199, %swap3A_200] {strides = array<i32>} : memref<1x3200xi32, #tpu.memory_space<vmem>>, vector<16xi32>,
        tpu.vector_store %arg7[%swap3A_199, %swap3A_200], %shift_left3A_197 {strides = array<i32>} : memref<1x3200xi32, #tpu.memory_space<vmem>>, vector<16xi32>,
        %get3A_202 = arith.index_cast %add3A_50 : i32 to index
        %get3A_203 = arith.constant 96 : index
        %get3A_204 = tpu.vector_load %arg5[%get3A_202, %get3A_203] {strides = array<i32>} : memref<8x200xi32, #tpu.memory_space<vmem>>, vector<16xi32>,
        %mul3A_205 = arith.constant 200 : i32
        %mul3A_206 = arith.muli %add3A_50, %mul3A_205 : i32
        %add3A_207 = arith.constant 1600 : i32
        %add3A_208 = arith.addi %add3A_207, %mul3A_206 : i32
        %add3A_209 = arith.constant 96 : i32
        %add3A_210 = arith.addi %add3A_208, %add3A_209 : i32
        %shift_right_arithmetic3A_211 = arith.constant 2 : i32
        %shift_right_arithmetic3A_212 = vector.broadcast %shift_right_arithmetic3A_211 : i32 to vector<16xi32>
        %shift_right_arithmetic3A_213 = arith.shrsi %get3A_204, %shift_right_arithmetic3A_212 : vector<16xi32>
        %swap3A_214 = arith.constant 0 : i32
        %swap3A_215 = arith.index_cast %swap3A_214 : i32 to index
        %swap3A_216 = arith.index_cast %add3A_210 : i32 to index
        %swap3A_217 = tpu.vector_load %arg6[%swap3A_215, %swap3A_216] {strides = array<i32>} : memref<1x3200xi32, #tpu.memory_space<vmem>>, vector<16xi32>,
        tpu.vector_store %arg6[%swap3A_215, %swap3A_216], %shift_right_arithmetic3A_213 {strides = array<i32>} : memref<1x3200xi32, #tpu.memory_space<vmem>>, vector<16xi32>,
        %and3A_218 = arith.constant 3 : i32
        %and3A_219 = vector.broadcast %and3A_218 : i32 to vector<16xi32>
        %and3A_220 = arith.andi %get3A_204, %and3A_219 : vector<16xi32>
        %shift_left3A_221 = arith.constant 5 : i32
        %shift_left3A_222 = vector.broadcast %shift_left3A_221 : i32 to vector<16xi32>
        %shift_left3A_223 = arith.shli %and3A_220, %shift_left3A_222 : vector<16xi32>
        %swap3A_224 = arith.constant 0 : i32
        %swap3A_225 = arith.index_cast %swap3A_224 : i32 to index
        %swap3A_226 = arith.index_cast %add3A_210 : i32 to index
        %swap3A_227 = tpu.vector_load %arg7[%swap3A_225, %swap3A_226] {strides = array<i32>} : memref<1x3200xi32, #tpu.memory_space<vmem>>, vector<16xi32>,
        tpu.vector_store %arg7[%swap3A_225, %swap3A_226], %shift_left3A_223 {strides = array<i32>} : memref<1x3200xi32, #tpu.memory_space<vmem>>, vector<16xi32>,
        %get3A_228 = arith.index_cast %add3A_50 : i32 to index
        %get3A_229 = arith.constant 112 : index
        %get3A_230 = tpu.vector_load %arg5[%get3A_228, %get3A_229] {strides = array<i32>} : memref<8x200xi32, #tpu.memory_space<vmem>>, vector<16xi32>,
        %mul3A_231 = arith.constant 200 : i32
        %mul3A_232 = arith.muli %add3A_50, %mul3A_231 : i32
        %add3A_233 = arith.constant 1600 : i32
        %add3A_234 = arith.addi %add3A_233, %mul3A_232 : i32
        %add3A_235 = arith.constant 112 : i32
        %add3A_236 = arith.addi %add3A_234, %add3A_235 : i32
        %shift_right_arithmetic3A_237 = arith.constant 2 : i32
        %shift_right_arithmetic3A_238 = vector.broadcast %shift_right_arithmetic3A_237 : i32 to vector<16xi32>
        %shift_right_arithmetic3A_239 = arith.shrsi %get3A_230, %shift_right_arithmetic3A_238 : vector<16xi32>
        %swap3A_240 = arith.constant 0 : i32
        %swap3A_241 = arith.index_cast %swap3A_240 : i32 to index
        %swap3A_242 = arith.index_cast %add3A_236 : i32 to index
        %swap3A_243 = tpu.vector_load %arg6[%swap3A_241, %swap3A_242] {strides = array<i32>} : memref<1x3200xi32, #tpu.memory_space<vmem>>, vector<16xi32>,
        tpu.vector_store %arg6[%swap3A_241, %swap3A_242], %shift_right_arithmetic3A_239 {strides = array<i32>} : memref<1x3200xi32, #tpu.memory_space<vmem>>, vector<16xi32>,
        %and3A_244 = arith.constant 3 : i32
        %and3A_245 = vector.broadcast %and3A_244 : i32 to vector<16xi32>
        %and3A_246 = arith.andi %get3A_230, %and3A_245 : vector<16xi32>
        %shift_left3A_247 = arith.constant 5 : i32
        %shift_left3A_248 = vector.broadcast %shift_left3A_247 : i32 to vector<16xi32>
        %shift_left3A_249 = arith.shli %and3A_246, %shift_left3A_248 : vector<16xi32>
        %swap3A_250 = arith.constant 0 : i32
        %swap3A_251 = arith.index_cast %swap3A_250 : i32 to index
        %swap3A_252 = arith.index_cast %add3A_236 : i32 to index
        %swap3A_253 = tpu.vector_load %arg7[%swap3A_251, %swap3A_252] {strides = array<i32>} : memref<1x3200xi32, #tpu.memory_space<vmem>>, vector<16xi32>,
        tpu.vector_store %arg7[%swap3A_251, %swap3A_252], %shift_left3A_249 {strides = array<i32>} : memref<1x3200xi32, #tpu.memory_space<vmem>>, vector<16xi32>,
        %get3A_254 = arith.index_cast %add3A_50 : i32 to index
        %get3A_255 = arith.constant 128 : index
        %get3A_256 = tpu.vector_load %arg5[%get3A_254, %get3A_255] {strides = array<i32>} : memref<8x200xi32, #tpu.memory_space<vmem>>, vector<16xi32>,
        %mul3A_257 = arith.constant 200 : i32
        %mul3A_258 = arith.muli %add3A_50, %mul3A_257 : i32
        %add3A_259 = arith.constant 1600 : i32
        %add3A_260 = arith.addi %add3A_259, %mul3A_258 : i32
        %add3A_261 = arith.constant 128 : i32
        %add3A_262 = arith.addi %add3A_260, %add3A_261 : i32
        %shift_right_arithmetic3A_263 = arith.constant 2 : i32
        %shift_right_arithmetic3A_264 = vector.broadcast %shift_right_arithmetic3A_263 : i32 to vector<16xi32>
        %shift_right_arithmetic3A_265 = arith.shrsi %get3A_256, %shift_right_arithmetic3A_264 : vector<16xi32>
        %swap3A_266 = arith.constant 0 : i32
        %swap3A_267 = arith.index_cast %swap3A_266 : i32 to index
        %swap3A_268 = arith.index_cast %add3A_262 : i32 to index
        %swap3A_269 = tpu.vector_load %arg6[%swap3A_267, %swap3A_268] {strides = array<i32>} : memref<1x3200xi32, #tpu.memory_space<vmem>>, vector<16xi32>,
        tpu.vector_store %arg6[%swap3A_267, %swap3A_268], %shift_right_arithmetic3A_265 {strides = array<i32>} : memref<1x3200xi32, #tpu.memory_space<vmem>>, vector<16xi32>,
        %and3A_270 = arith.constant 3 : i32
        %and3A_271 = vector.broadcast %and3A_270 : i32 to vector<16xi32>
        %and3A_272 = arith.andi %get3A_256, %and3A_271 : vector<16xi32>
        %shift_left3A_273 = arith.constant 5 : i32
        %shift_left3A_274 = vector.broadcast %shift_left3A_273 : i32 to vector<16xi32>
        %shift_left3A_275 = arith.shli %and3A_272, %shift_left3A_274 : vector<16xi32>
        %swap3A_276 = arith.constant 0 : i32
        %swap3A_277 = arith.index_cast %swap3A_276 : i32 to index
        %swap3A_278 = arith.index_cast %add3A_262 : i32 to index
        %swap3A_279 = tpu.vector_load %arg7[%swap3A_277, %swap3A_278] {strides = array<i32>} : memref<1x3200xi32, #tpu.memory_space<vmem>>, vector<16xi32>,
        tpu.vector_store %arg7[%swap3A_277, %swap3A_278], %shift_left3A_275 {strides = array<i32>} : memref<1x3200xi32, #tpu.memory_space<vmem>>, vector<16xi32>,
        %get3A_280 = arith.index_cast %add3A_50 : i32 to index
        %get3A_281 = arith.constant 144 : index
        %get3A_282 = tpu.vector_load %arg5[%get3A_280, %get3A_281] {strides = array<i32>} : memref<8x200xi32, #tpu.memory_space<vmem>>, vector<16xi32>,
        %mul3A_283 = arith.constant 200 : i32
        %mul3A_284 = arith.muli %add3A_50, %mul3A_283 : i32
        %add3A_285 = arith.constant 1600 : i32
        %add3A_286 = arith.addi %add3A_285, %mul3A_284 : i32
        %add3A_287 = arith.constant 144 : i32
        %add3A_288 = arith.addi %add3A_286, %add3A_287 : i32
        %shift_right_arithmetic3A_289 = arith.constant 2 : i32
        %shift_right_arithmetic3A_290 = vector.broadcast %shift_right_arithmetic3A_289 : i32 to vector<16xi32>
        %shift_right_arithmetic3A_291 = arith.shrsi %get3A_282, %shift_right_arithmetic3A_290 : vector<16xi32>
        %swap3A_292 = arith.constant 0 : i32
        %swap3A_293 = arith.index_cast %swap3A_292 : i32 to index
        %swap3A_294 = arith.index_cast %add3A_288 : i32 to index
        %swap3A_295 = tpu.vector_load %arg6[%swap3A_293, %swap3A_294] {strides = array<i32>} : memref<1x3200xi32, #tpu.memory_space<vmem>>, vector<16xi32>,
        tpu.vector_store %arg6[%swap3A_293, %swap3A_294], %shift_right_arithmetic3A_291 {strides = array<i32>} : memref<1x3200xi32, #tpu.memory_space<vmem>>, vector<16xi32>,
        %and3A_296 = arith.constant 3 : i32
        %and3A_297 = vector.broadcast %and3A_296 : i32 to vector<16xi32>
        %and3A_298 = arith.andi %get3A_282, %and3A_297 : vector<16xi32>
        %shift_left3A_299 = arith.constant 5 : i32
        %shift_left3A_300 = vector.broadcast %shift_left3A_299 : i32 to vector<16xi32>
        %shift_left3A_301 = arith.shli %and3A_298, %shift_left3A_300 : vector<16xi32>
        %swap3A_302 = arith.constant 0 : i32
        %swap3A_303 = arith.index_cast %swap3A_302 : i32 to index
        %swap3A_304 = arith.index_cast %add3A_288 : i32 to index
        %swap3A_305 = tpu.vector_load %arg7[%swap3A_303, %swap3A_304] {strides = array<i32>} : memref<1x3200xi32, #tpu.memory_space<vmem>>, vector<16xi32>,
        tpu.vector_store %arg7[%swap3A_303, %swap3A_304], %shift_left3A_301 {strides = array<i32>} : memref<1x3200xi32, #tpu.memory_space<vmem>>, vector<16xi32>,
        %get3A_306 = arith.index_cast %add3A_50 : i32 to index
        %get3A_307 = arith.constant 160 : index
        %get3A_308 = tpu.vector_load %arg5[%get3A_306, %get3A_307] {strides = array<i32>} : memref<8x200xi32, #tpu.memory_space<vmem>>, vector<16xi32>,
        %mul3A_309 = arith.constant 200 : i32
        %mul3A_310 = arith.muli %add3A_50, %mul3A_309 : i32
        %add3A_311 = arith.constant 1600 : i32
        %add3A_312 = arith.addi %add3A_311, %mul3A_310 : i32
        %add3A_313 = arith.constant 160 : i32
        %add3A_314 = arith.addi %add3A_312, %add3A_313 : i32
        %shift_right_arithmetic3A_315 = arith.constant 2 : i32
        %shift_right_arithmetic3A_316 = vector.broadcast %shift_right_arithmetic3A_315 : i32 to vector<16xi32>
        %shift_right_arithmetic3A_317 = arith.shrsi %get3A_308, %shift_right_arithmetic3A_316 : vector<16xi32>
        %swap3A_318 = arith.constant 0 : i32
        %swap3A_319 = arith.index_cast %swap3A_318 : i32 to index
        %swap3A_320 = arith.index_cast %add3A_314 : i32 to index
        %swap3A_321 = tpu.vector_load %arg6[%swap3A_319, %swap3A_320] {strides = array<i32>} : memref<1x3200xi32, #tpu.memory_space<vmem>>, vector<16xi32>,
        tpu.vector_store %arg6[%swap3A_319, %swap3A_320], %shift_right_arithmetic3A_317 {strides = array<i32>} : memref<1x3200xi32, #tpu.memory_space<vmem>>, vector<16xi32>,
        %and3A_322 = arith.constant 3 : i32
        %and3A_323 = vector.broadcast %and3A_322 : i32 to vector<16xi32>
        %and3A_324 = arith.andi %get3A_308, %and3A_323 : vector<16xi32>
        %shift_left3A_325 = arith.constant 5 : i32
        %shift_left3A_326 = vector.broadcast %shift_left3A_325 : i32 to vector<16xi32>
        %shift_left3A_327 = arith.shli %and3A_324, %shift_left3A_326 : vector<16xi32>
        %swap3A_328 = arith.constant 0 : i32
        %swap3A_329 = arith.index_cast %swap3A_328 : i32 to index
        %swap3A_330 = arith.index_cast %add3A_314 : i32 to index
        %swap3A_331 = tpu.vector_load %arg7[%swap3A_329, %swap3A_330] {strides = array<i32>} : memref<1x3200xi32, #tpu.memory_space<vmem>>, vector<16xi32>,
        tpu.vector_store %arg7[%swap3A_329, %swap3A_330], %shift_left3A_327 {strides = array<i32>} : memref<1x3200xi32, #tpu.memory_space<vmem>>, vector<16xi32>,
        %get3A_332 = arith.index_cast %add3A_50 : i32 to index
        %get3A_333 = arith.constant 176 : index
        %get3A_334 = tpu.vector_load %arg5[%get3A_332, %get3A_333] {strides = array<i32>} : memref<8x200xi32, #tpu.memory_space<vmem>>, vector<16xi32>,
        %mul3A_335 = arith.constant 200 : i32
        %mul3A_336 = arith.muli %add3A_50, %mul3A_335 : i32
        %add3A_337 = arith.constant 1600 : i32
        %add3A_338 = arith.addi %add3A_337, %mul3A_336 : i32
        %add3A_339 = arith.constant 176 : i32
        %add3A_340 = arith.addi %add3A_338, %add3A_339 : i32
        %shift_right_arithmetic3A_341 = arith.constant 2 : i32
        %shift_right_arithmetic3A_342 = vector.broadcast %shift_right_arithmetic3A_341 : i32 to vector<16xi32>
        %shift_right_arithmetic3A_343 = arith.shrsi %get3A_334, %shift_right_arithmetic3A_342 : vector<16xi32>
        %swap3A_344 = arith.constant 0 : i32
        %swap3A_345 = arith.index_cast %swap3A_344 : i32 to index
        %swap3A_346 = arith.index_cast %add3A_340 : i32 to index
        %swap3A_347 = tpu.vector_load %arg6[%swap3A_345, %swap3A_346] {strides = array<i32>} : memref<1x3200xi32, #tpu.memory_space<vmem>>, vector<16xi32>,
        tpu.vector_store %arg6[%swap3A_345, %swap3A_346], %shift_right_arithmetic3A_343 {strides = array<i32>} : memref<1x3200xi32, #tpu.memory_space<vmem>>, vector<16xi32>,
        %and3A_348 = arith.constant 3 : i32
        %and3A_349 = vector.broadcast %and3A_348 : i32 to vector<16xi32>
        %and3A_350 = arith.andi %get3A_334, %and3A_349 : vector<16xi32>
        %shift_left3A_351 = arith.constant 5 : i32
        %shift_left3A_352 = vector.broadcast %shift_left3A_351 : i32 to vector<16xi32>
        %shift_left3A_353 = arith.shli %and3A_350, %shift_left3A_352 : vector<16xi32>
        %swap3A_354 = arith.constant 0 : i32
        %swap3A_355 = arith.index_cast %swap3A_354 : i32 to index
        %swap3A_356 = arith.index_cast %add3A_340 : i32 to index
        %swap3A_357 = tpu.vector_load %arg7[%swap3A_355, %swap3A_356] {strides = array<i32>} : memref<1x3200xi32, #tpu.memory_space<vmem>>, vector<16xi32>,
        tpu.vector_store %arg7[%swap3A_355, %swap3A_356], %shift_left3A_353 {strides = array<i32>} : memref<1x3200xi32, #tpu.memory_space<vmem>>, vector<16xi32>,
        %get3A_358 = arith.index_cast %add3A_50 : i32 to index
        %get3A_359 = arith.constant 184 : index
        %get3A_360 = tpu.vector_load %arg5[%get3A_358, %get3A_359] {strides = array<i32>} : memref<8x200xi32, #tpu.memory_space<vmem>>, vector<16xi32>,
        %mul3A_361 = arith.constant 200 : i32
        %mul3A_362 = arith.muli %add3A_50, %mul3A_361 : i32
        %add3A_363 = arith.constant 1600 : i32
        %add3A_364 = arith.addi %add3A_363, %mul3A_362 : i32
        %add3A_365 = arith.constant 184 : i32
        %add3A_366 = arith.addi %add3A_364, %add3A_365 : i32
        %shift_right_arithmetic3A_367 = arith.constant 2 : i32
        %shift_right_arithmetic3A_368 = vector.broadcast %shift_right_arithmetic3A_367 : i32 to vector<16xi32>
        %shift_right_arithmetic3A_369 = arith.shrsi %get3A_360, %shift_right_arithmetic3A_368 : vector<16xi32>
        %swap3A_370 = arith.constant 0 : i32
        %swap3A_371 = arith.index_cast %swap3A_370 : i32 to index
        %swap3A_372 = arith.index_cast %add3A_366 : i32 to index
        %swap3A_373 = tpu.vector_load %arg6[%swap3A_371, %swap3A_372] {strides = array<i32>} : memref<1x3200xi32, #tpu.memory_space<vmem>>, vector<16xi32>,
        tpu.vector_store %arg6[%swap3A_371, %swap3A_372], %shift_right_arithmetic3A_369 {strides = array<i32>} : memref<1x3200xi32, #tpu.memory_space<vmem>>, vector<16xi32>,
        %and3A_374 = arith.constant 3 : i32
        %and3A_375 = vector.broadcast %and3A_374 : i32 to vector<16xi32>
        %and3A_376 = arith.andi %get3A_360, %and3A_375 : vector<16xi32>
        %shift_left3A_377 = arith.constant 5 : i32
        %shift_left3A_378 = vector.broadcast %shift_left3A_377 : i32 to vector<16xi32>
        %shift_left3A_379 = arith.shli %and3A_376, %shift_left3A_378 : vector<16xi32>
        %swap3A_380 = arith.constant 0 : i32
        %swap3A_381 = arith.index_cast %swap3A_380 : i32 to index
        %swap3A_382 = arith.index_cast %add3A_366 : i32 to index
        %swap3A_383 = tpu.vector_load %arg7[%swap3A_381, %swap3A_382] {strides = array<i32>} : memref<1x3200xi32, #tpu.memory_space<vmem>>, vector<16xi32>,
        tpu.vector_store %arg7[%swap3A_381, %swap3A_382], %shift_left3A_379 {strides = array<i32>} : memref<1x3200xi32, #tpu.memory_space<vmem>>, vector<16xi32>,
      }
      %scan3A_40 = arith.constant 8 : i32
      %scan3A_41 = arith.constant 0 : i32
      %scan3A_42 = arith.constant 25 : i32
      %scan3A_43 = arith.addi %scan3A_41, %scan3A_42 : i32
      %scan3A_44 = arith.constant 1 : i32
      scf.for %scan3A_46 = %scan3A_41 to %scan3A_43 step %scan3A_44  : i32 {
        %mul3A_47 = arith.constant 1 : i32
        %mul3A_48 = arith.muli %scan3A_46, %mul3A_47 : i32
        %add3A_49 = arith.constant 0 : i32
        %add3A_50 = arith.addi %add3A_49, %mul3A_48 : i32
        %mul3A_51 = arith.constant 128 : i32
        %mul3A_52 = arith.muli %add3A_50, %mul3A_51 : i32
        %mul3A_53 = arith.constant 3200 : i32
        %mul3A_54 = arith.muli %add3A_20, %mul3A_53 : i32
        %add3A_55 = arith.addi %mul3A_4, %mul3A_54 : i32
        %mul3A_56 = arith.constant 128 : i32
        %mul3A_57 = arith.muli %add3A_50, %mul3A_56 : i32
        %add3A_58 = arith.addi %add3A_55, %mul3A_57 : i32
        %add3A_59 = arith.constant 0 : i32
        %add3A_60 = arith.addi %mul3A_52, %add3A_59 : i32
        %dma_start3A = arith.constant 0 : i32
        %dma_start3A_61 = tpu.memref_slice %arg6[%dma_start3A, %add3A_60] : memref<1x3200xi32, #tpu.memory_space<vmem>> -> memref<1x32xi32, #tpu.memory_space<vmem>>
        %dma_start3A_62 = tpu.memref_squeeze %dma_start3A_61 : memref<1x32xi32, #tpu.memory_space<vmem>> -> memref<32xi32, #tpu.memory_space<vmem>>
        %dma_start3A_63 = arith.constant 0 : i32
        %dma_start3A_64 = arith.constant 0 : i32
        %dma_start3A_65 = tpu.memref_slice %arg2[%dma_start3A_63, %dma_start3A_64] : memref<250000x128xf32, #tpu.memory_space<hbm>> -> memref<250000x128xf32, #tpu.memory_space<hbm>>
        tpu.enqueue_indirect_dma source(%dma_start3A_65 : memref<250000x128xf32, #tpu.memory_space<hbm>>) target(%arg8 : memref<32x128xf32, #tpu.memory_space<vmem>>) offsets(%dma_start3A_62 : memref<32xi32, #tpu.memory_space<vmem>>) semaphore(%arg11 : memref<!tpu.dma_semaphore, #tpu.memory_space<semaphore_mem>>)
        %add3A_66 = arith.constant 32 : i32
        %add3A_67 = arith.addi %mul3A_52, %add3A_66 : i32
        %dma_start3A_68 = arith.constant 0 : i32
        %dma_start3A_69 = tpu.memref_slice %arg6[%dma_start3A_68, %add3A_67] : memref<1x3200xi32, #tpu.memory_space<vmem>> -> memref<1x32xi32, #tpu.memory_space<vmem>>
        %dma_start3A_70 = tpu.memref_squeeze %dma_start3A_69 : memref<1x32xi32, #tpu.memory_space<vmem>> -> memref<32xi32, #tpu.memory_space<vmem>>
        %dma_start3A_71 = arith.constant 0 : i32
        %dma_start3A_72 = arith.constant 0 : i32
        %dma_start3A_73 = tpu.memref_slice %arg2[%dma_start3A_71, %dma_start3A_72] : memref<250000x128xf32, #tpu.memory_space<hbm>> -> memref<250000x128xf32, #tpu.memory_space<hbm>>
        tpu.enqueue_indirect_dma source(%dma_start3A_73 : memref<250000x128xf32, #tpu.memory_space<hbm>>) target(%arg9 : memref<32x128xf32, #tpu.memory_space<vmem>>) offsets(%dma_start3A_70 : memref<32xi32, #tpu.memory_space<vmem>>) semaphore(%arg12 : memref<!tpu.dma_semaphore, #tpu.memory_space<semaphore_mem>>)
        %dma_wait3A_74 = arith.constant 0 : i32
        %dma_wait3A_75 = tpu.memref_slice %arg6[%dma_wait3A_74, %add3A_60] : memref<1x3200xi32, #tpu.memory_space<vmem>> -> memref<1x32xi32, #tpu.memory_space<vmem>>
        %dma_wait3A_76 = tpu.memref_squeeze %dma_wait3A_75 : memref<1x32xi32, #tpu.memory_space<vmem>> -> memref<32xi32, #tpu.memory_space<vmem>>
        %dma_wait3A_77 = arith.constant 0 : i32
        %dma_wait3A_78 = arith.constant 0 : i32
        %dma_wait3A_79 = tpu.memref_slice %arg2[%dma_wait3A_77, %dma_wait3A_78] : memref<250000x128xf32, #tpu.memory_space<hbm>> -> memref<250000x128xf32, #tpu.memory_space<hbm>>
        tpu.wait_indirect_dma semaphore(%arg11 : memref<!tpu.dma_semaphore, #tpu.memory_space<semaphore_mem>>) src(%dma_wait3A_79 : memref<250000x128xf32, #tpu.memory_space<hbm>>) dst(%arg8 : memref<32x128xf32, #tpu.memory_space<vmem>>)
        %add3A_80 = arith.addi %add3A_20, %add3A_50 : i32
        %gt3A = arith.constant 0 : i32
        %gt3A_81 = arith.cmpi sgt, %add3A_80, %gt3A : i32
        %convert_element_type3A = arith.extui %gt3A_81 : i1 to i32
        %cond3A = arith.constant 0 : i32
        %cond3A_82 = arith.cmpi ne, %convert_element_type3A, %cond3A : i32
        scf.if %cond3A_82 {
          %dma_wait3A_143 = tpu.memref_reshape %arg4 : memref<4096x200x32xf32, #tpu.memory_space<hbm>> -> memref<819200x32xf32, #tpu.memory_space<hbm>>
          %dma_wait3A_144 = arith.constant 0 : i32
          %dma_wait3A_145 = arith.constant 0 : i32
          %dma_wait3A_146 = tpu.memref_slice %dma_wait3A_143[%dma_wait3A_144, %dma_wait3A_145] : memref<819200x32xf32, #tpu.memory_space<hbm>> -> memref<128x32xf32, #tpu.memory_space<hbm>>
          %dma_wait3A_147 = tpu.memref_reshape %arg4 : memref<4096x200x32xf32, #tpu.memory_space<hbm>> -> memref<819200x32xf32, #tpu.memory_space<hbm>>
          %dma_wait3A_148 = arith.constant 0 : i32
          %dma_wait3A_149 = arith.constant 0 : i32
          %dma_wait3A_150 = tpu.memref_slice %dma_wait3A_147[%dma_wait3A_148, %dma_wait3A_149] : memref<819200x32xf32, #tpu.memory_space<hbm>> -> memref<128x32xf32, #tpu.memory_space<hbm>>
          tpu.wait_dma2 semaphore(%arg13 : memref<!tpu.dma_semaphore, #tpu.memory_space<semaphore_mem>>) src(%arg10 : memref<128x32xf32, #tpu.memory_space<vmem>>) dst(%dma_wait3A_150 : memref<128x32xf32, #tpu.memory_space<hbm>>)
        } else {
        }
        %scan3A_83 = arith.constant 0 : i32
        %scan3A_84 = arith.constant 32 : i32
        %scan3A_85 = arith.addi %scan3A_83, %scan3A_84 : i32
        %scan3A_86 = arith.constant 1 : i32
        scf.for %scan3A_143 = %scan3A_83 to %scan3A_85 step %scan3A_86  : i32 {
          %mul3A_144 = arith.constant 1 : i32
          %mul3A_145 = arith.muli %scan3A_143, %mul3A_144 : i32
          %add3A_146 = arith.constant 0 : i32
          %add3A_147 = arith.addi %add3A_146, %mul3A_145 : i32
          %broadcast_in_dim3A = vector.broadcast %add3A_147 : i32 to vector<16xi32>
          %add3A_148 = arith.constant 0 : i32
          %add3A_149 = arith.addi %mul3A_52, %add3A_148 : i32
          %add3A_150 = vector.broadcast %add3A_149 : i32 to vector<16xi32>
          %add3A_151 = arith.addi %add3A_150, %broadcast_in_dim3A : vector<16xi32>
          %gather3A = arith.constant 0 : i32
          %gather3A_152 = arith.constant 0 : i32
          %gather3A_153 = tpu.memref_slice %arg7[%gather3A, %gather3A_152] : memref<1x3200xi32, #tpu.memory_space<vmem>> -> memref<1x3200xi32, #tpu.memory_space<vmem>>
          %gather3A_154 = tpu.memref_squeeze %gather3A_153 : memref<1x3200xi32, #tpu.memory_space<vmem>> -> memref<3200xi32, #tpu.memory_space<vmem>>
          %gather3A_155 = tpu.vector_load_idx %gather3A_154[%add3A_151] : memref<3200xi32, #tpu.memory_space<vmem>>[vector<16xi32>], vector<16xi32>,
          %add3A_156 = arith.addi %gather3A_155, %iota3A : vector<16xi32>
          %gather3A_157 = tpu.vector_load_idx %arg8[%broadcast_in_dim3A, %add3A_156] : memref<32x128xf32, #tpu.memory_space<vmem>>[vector<16xi32>, vector<16xi32>], vector<16xf32>,
          %add3A_158 = arith.addi %gather3A_155, %iota3A : vector<16xi32>
          %add3A_159 = arith.constant 16 : i32
          %add3A_160 = vector.broadcast %add3A_159 : i32 to vector<16xi32>
          %add3A_161 = arith.addi %add3A_158, %add3A_160 : vector<16xi32>
          %gather3A_162 = tpu.vector_load_idx %arg8[%broadcast_in_dim3A, %add3A_161] : memref<32x128xf32, #tpu.memory_space<vmem>>[vector<16xi32>, vector<16xi32>], vector<16xf32>,
          %add3A_163 = arith.constant 0 : i32
          %add3A_164 = arith.addi %add3A_163, %add3A_147 : i32
          %swap3A = arith.index_cast %add3A_164 : i32 to index
          %swap3A_165 = arith.constant 0 : index
          %swap3A_166 = tpu.vector_load %arg10[%swap3A, %swap3A_165] {strides = array<i32>} : memref<128x32xf32, #tpu.memory_space<vmem>>, vector<16xf32>,
          tpu.vector_store %arg10[%swap3A, %swap3A_165], %gather3A_157 {strides = array<i32>} : memref<128x32xf32, #tpu.memory_space<vmem>>, vector<16xf32>,
          %add3A_167 = arith.constant 0 : i32
          %add3A_168 = arith.addi %add3A_167, %add3A_147 : i32
          %swap3A_169 = arith.index_cast %add3A_168 : i32 to index
          %swap3A_170 = arith.constant 16 : index
          %swap3A_171 = tpu.vector_load %arg10[%swap3A_169, %swap3A_170] {strides = array<i32>} : memref<128x32xf32, #tpu.memory_space<vmem>>, vector<16xf32>,
          tpu.vector_store %arg10[%swap3A_169, %swap3A_170], %gather3A_162 {strides = array<i32>} : memref<128x32xf32, #tpu.memory_space<vmem>>, vector<16xf32>,
        }
        %scan3A_87 = arith.constant 32 : i32
        %add3A_88 = arith.constant 64 : i32
        %add3A_89 = arith.addi %mul3A_52, %add3A_88 : i32
        %dma_start3A_90 = arith.constant 0 : i32
        %dma_start3A_91 = tpu.memref_slice %arg6[%dma_start3A_90, %add3A_89] : memref<1x3200xi32, #tpu.memory_space<vmem>> -> memref<1x32xi32, #tpu.memory_space<vmem>>
        %dma_start3A_92 = tpu.memref_squeeze %dma_start3A_91 : memref<1x32xi32, #tpu.memory_space<vmem>> -> memref<32xi32, #tpu.memory_space<vmem>>
        %dma_start3A_93 = arith.constant 0 : i32
        %dma_start3A_94 = arith.constant 0 : i32
        %dma_start3A_95 = tpu.memref_slice %arg2[%dma_start3A_93, %dma_start3A_94] : memref<250000x128xf32, #tpu.memory_space<hbm>> -> memref<250000x128xf32, #tpu.memory_space<hbm>>
        tpu.enqueue_indirect_dma source(%dma_start3A_95 : memref<250000x128xf32, #tpu.memory_space<hbm>>) target(%arg8 : memref<32x128xf32, #tpu.memory_space<vmem>>) offsets(%dma_start3A_92 : memref<32xi32, #tpu.memory_space<vmem>>) semaphore(%arg11 : memref<!tpu.dma_semaphore, #tpu.memory_space<semaphore_mem>>)
        %dma_wait3A_96 = arith.constant 0 : i32
        %dma_wait3A_97 = tpu.memref_slice %arg6[%dma_wait3A_96, %add3A_67] : memref<1x3200xi32, #tpu.memory_space<vmem>> -> memref<1x32xi32, #tpu.memory_space<vmem>>
        %dma_wait3A_98 = tpu.memref_squeeze %dma_wait3A_97 : memref<1x32xi32, #tpu.memory_space<vmem>> -> memref<32xi32, #tpu.memory_space<vmem>>
        %dma_wait3A_99 = arith.constant 0 : i32
        %dma_wait3A_100 = arith.constant 0 : i32
        %dma_wait3A_101 = tpu.memref_slice %arg2[%dma_wait3A_99, %dma_wait3A_100] : memref<250000x128xf32, #tpu.memory_space<hbm>> -> memref<250000x128xf32, #tpu.memory_space<hbm>>
        tpu.wait_indirect_dma semaphore(%arg12 : memref<!tpu.dma_semaphore, #tpu.memory_space<semaphore_mem>>) src(%dma_wait3A_101 : memref<250000x128xf32, #tpu.memory_space<hbm>>) dst(%arg9 : memref<32x128xf32, #tpu.memory_space<vmem>>)
        %scan3A_102 = arith.constant 0 : i32
        %scan3A_103 = arith.constant 32 : i32
        %scan3A_104 = arith.addi %scan3A_102, %scan3A_103 : i32
        %scan3A_105 = arith.constant 1 : i32
        scf.for %scan3A_143 = %scan3A_102 to %scan3A_104 step %scan3A_105  : i32 {
          %mul3A_144 = arith.constant 1 : i32
          %mul3A_145 = arith.muli %scan3A_143, %mul3A_144 : i32
          %add3A_146 = arith.constant 0 : i32
          %add3A_147 = arith.addi %add3A_146, %mul3A_145 : i32
          %broadcast_in_dim3A = vector.broadcast %add3A_147 : i32 to vector<16xi32>
          %add3A_148 = arith.constant 32 : i32
          %add3A_149 = arith.addi %mul3A_52, %add3A_148 : i32
          %add3A_150 = vector.broadcast %add3A_149 : i32 to vector<16xi32>
          %add3A_151 = arith.addi %add3A_150, %broadcast_in_dim3A : vector<16xi32>
          %gather3A = arith.constant 0 : i32
          %gather3A_152 = arith.constant 0 : i32
          %gather3A_153 = tpu.memref_slice %arg7[%gather3A, %gather3A_152] : memref<1x3200xi32, #tpu.memory_space<vmem>> -> memref<1x3200xi32, #tpu.memory_space<vmem>>
          %gather3A_154 = tpu.memref_squeeze %gather3A_153 : memref<1x3200xi32, #tpu.memory_space<vmem>> -> memref<3200xi32, #tpu.memory_space<vmem>>
          %gather3A_155 = tpu.vector_load_idx %gather3A_154[%add3A_151] : memref<3200xi32, #tpu.memory_space<vmem>>[vector<16xi32>], vector<16xi32>,
          %add3A_156 = arith.addi %gather3A_155, %iota3A : vector<16xi32>
          %gather3A_157 = tpu.vector_load_idx %arg9[%broadcast_in_dim3A, %add3A_156] : memref<32x128xf32, #tpu.memory_space<vmem>>[vector<16xi32>, vector<16xi32>], vector<16xf32>,
          %add3A_158 = arith.addi %gather3A_155, %iota3A : vector<16xi32>
          %add3A_159 = arith.constant 16 : i32
          %add3A_160 = vector.broadcast %add3A_159 : i32 to vector<16xi32>
          %add3A_161 = arith.addi %add3A_158, %add3A_160 : vector<16xi32>
          %gather3A_162 = tpu.vector_load_idx %arg9[%broadcast_in_dim3A, %add3A_161] : memref<32x128xf32, #tpu.memory_space<vmem>>[vector<16xi32>, vector<16xi32>], vector<16xf32>,
          %add3A_163 = arith.constant 32 : i32
          %add3A_164 = arith.addi %add3A_163, %add3A_147 : i32
          %swap3A = arith.index_cast %add3A_164 : i32 to index
          %swap3A_165 = arith.constant 0 : index
          %swap3A_166 = tpu.vector_load %arg10[%swap3A, %swap3A_165] {strides = array<i32>} : memref<128x32xf32, #tpu.memory_space<vmem>>, vector<16xf32>,
          tpu.vector_store %arg10[%swap3A, %swap3A_165], %gather3A_157 {strides = array<i32>} : memref<128x32xf32, #tpu.memory_space<vmem>>, vector<16xf32>,
          %add3A_167 = arith.constant 32 : i32
          %add3A_168 = arith.addi %add3A_167, %add3A_147 : i32
          %swap3A_169 = arith.index_cast %add3A_168 : i32 to index
          %swap3A_170 = arith.constant 16 : index
          %swap3A_171 = tpu.vector_load %arg10[%swap3A_169, %swap3A_170] {strides = array<i32>} : memref<128x32xf32, #tpu.memory_space<vmem>>, vector<16xf32>,
          tpu.vector_store %arg10[%swap3A_169, %swap3A_170], %gather3A_162 {strides = array<i32>} : memref<128x32xf32, #tpu.memory_space<vmem>>, vector<16xf32>,
        }
        %scan3A_106 = arith.constant 32 : i32
        %add3A_107 = arith.constant 96 : i32
        %add3A_108 = arith.addi %mul3A_52, %add3A_107 : i32
        %dma_start3A_109 = arith.constant 0 : i32
        %dma_start3A_110 = tpu.memref_slice %arg6[%dma_start3A_109, %add3A_108] : memref<1x3200xi32, #tpu.memory_space<vmem>> -> memref<1x32xi32, #tpu.memory_space<vmem>>
        %dma_start3A_111 = tpu.memref_squeeze %dma_start3A_110 : memref<1x32xi32, #tpu.memory_space<vmem>> -> memref<32xi32, #tpu.memory_space<vmem>>
        %dma_start3A_112 = arith.constant 0 : i32
        %dma_start3A_113 = arith.constant 0 : i32
        %dma_start3A_114 = tpu.memref_slice %arg2[%dma_start3A_112, %dma_start3A_113] : memref<250000x128xf32, #tpu.memory_space<hbm>> -> memref<250000x128xf32, #tpu.memory_space<hbm>>
        tpu.enqueue_indirect_dma source(%dma_start3A_114 : memref<250000x128xf32, #tpu.memory_space<hbm>>) target(%arg9 : memref<32x128xf32, #tpu.memory_space<vmem>>) offsets(%dma_start3A_111 : memref<32xi32, #tpu.memory_space<vmem>>) semaphore(%arg12 : memref<!tpu.dma_semaphore, #tpu.memory_space<semaphore_mem>>)
        %dma_wait3A_115 = arith.constant 0 : i32
        %dma_wait3A_116 = tpu.memref_slice %arg6[%dma_wait3A_115, %add3A_89] : memref<1x3200xi32, #tpu.memory_space<vmem>> -> memref<1x32xi32, #tpu.memory_space<vmem>>
        %dma_wait3A_117 = tpu.memref_squeeze %dma_wait3A_116 : memref<1x32xi32, #tpu.memory_space<vmem>> -> memref<32xi32, #tpu.memory_space<vmem>>
        %dma_wait3A_118 = arith.constant 0 : i32
        %dma_wait3A_119 = arith.constant 0 : i32
        %dma_wait3A_120 = tpu.memref_slice %arg2[%dma_wait3A_118, %dma_wait3A_119] : memref<250000x128xf32, #tpu.memory_space<hbm>> -> memref<250000x128xf32, #tpu.memory_space<hbm>>
        tpu.wait_indirect_dma semaphore(%arg11 : memref<!tpu.dma_semaphore, #tpu.memory_space<semaphore_mem>>) src(%dma_wait3A_120 : memref<250000x128xf32, #tpu.memory_space<hbm>>) dst(%arg8 : memref<32x128xf32, #tpu.memory_space<vmem>>)
        %scan3A_121 = arith.constant 0 : i32
        %scan3A_122 = arith.constant 32 : i32
        %scan3A_123 = arith.addi %scan3A_121, %scan3A_122 : i32
        %scan3A_124 = arith.constant 1 : i32
        scf.for %scan3A_143 = %scan3A_121 to %scan3A_123 step %scan3A_124  : i32 {
          %mul3A_144 = arith.constant 1 : i32
          %mul3A_145 = arith.muli %scan3A_143, %mul3A_144 : i32
          %add3A_146 = arith.constant 0 : i32
          %add3A_147 = arith.addi %add3A_146, %mul3A_145 : i32
          %broadcast_in_dim3A = vector.broadcast %add3A_147 : i32 to vector<16xi32>
          %add3A_148 = arith.constant 64 : i32
          %add3A_149 = arith.addi %mul3A_52, %add3A_148 : i32
          %add3A_150 = vector.broadcast %add3A_149 : i32 to vector<16xi32>
          %add3A_151 = arith.addi %add3A_150, %broadcast_in_dim3A : vector<16xi32>
          %gather3A = arith.constant 0 : i32
          %gather3A_152 = arith.constant 0 : i32
          %gather3A_153 = tpu.memref_slice %arg7[%gather3A, %gather3A_152] : memref<1x3200xi32, #tpu.memory_space<vmem>> -> memref<1x3200xi32, #tpu.memory_space<vmem>>
          %gather3A_154 = tpu.memref_squeeze %gather3A_153 : memref<1x3200xi32, #tpu.memory_space<vmem>> -> memref<3200xi32, #tpu.memory_space<vmem>>
          %gather3A_155 = tpu.vector_load_idx %gather3A_154[%add3A_151] : memref<3200xi32, #tpu.memory_space<vmem>>[vector<16xi32>], vector<16xi32>,
          %add3A_156 = arith.addi %gather3A_155, %iota3A : vector<16xi32>
          %gather3A_157 = tpu.vector_load_idx %arg8[%broadcast_in_dim3A, %add3A_156] : memref<32x128xf32, #tpu.memory_space<vmem>>[vector<16xi32>, vector<16xi32>], vector<16xf32>,
          %add3A_158 = arith.addi %gather3A_155, %iota3A : vector<16xi32>
          %add3A_159 = arith.constant 16 : i32
          %add3A_160 = vector.broadcast %add3A_159 : i32 to vector<16xi32>
          %add3A_161 = arith.addi %add3A_158, %add3A_160 : vector<16xi32>
          %gather3A_162 = tpu.vector_load_idx %arg8[%broadcast_in_dim3A, %add3A_161] : memref<32x128xf32, #tpu.memory_space<vmem>>[vector<16xi32>, vector<16xi32>], vector<16xf32>,
          %add3A_163 = arith.constant 64 : i32
          %add3A_164 = arith.addi %add3A_163, %add3A_147 : i32
          %swap3A = arith.index_cast %add3A_164 : i32 to index
          %swap3A_165 = arith.constant 0 : index
          %swap3A_166 = tpu.vector_load %arg10[%swap3A, %swap3A_165] {strides = array<i32>} : memref<128x32xf32, #tpu.memory_space<vmem>>, vector<16xf32>,
          tpu.vector_store %arg10[%swap3A, %swap3A_165], %gather3A_157 {strides = array<i32>} : memref<128x32xf32, #tpu.memory_space<vmem>>, vector<16xf32>,
          %add3A_167 = arith.constant 64 : i32
          %add3A_168 = arith.addi %add3A_167, %add3A_147 : i32
          %swap3A_169 = arith.index_cast %add3A_168 : i32 to index
          %swap3A_170 = arith.constant 16 : index
          %swap3A_171 = tpu.vector_load %arg10[%swap3A_169, %swap3A_170] {strides = array<i32>} : memref<128x32xf32, #tpu.memory_space<vmem>>, vector<16xf32>,
          tpu.vector_store %arg10[%swap3A_169, %swap3A_170], %gather3A_162 {strides = array<i32>} : memref<128x32xf32, #tpu.memory_space<vmem>>, vector<16xf32>,
        }
        %scan3A_125 = arith.constant 32 : i32
        %dma_wait3A_126 = arith.constant 0 : i32
        %dma_wait3A_127 = tpu.memref_slice %arg6[%dma_wait3A_126, %add3A_108] : memref<1x3200xi32, #tpu.memory_space<vmem>> -> memref<1x32xi32, #tpu.memory_space<vmem>>
        %dma_wait3A_128 = tpu.memref_squeeze %dma_wait3A_127 : memref<1x32xi32, #tpu.memory_space<vmem>> -> memref<32xi32, #tpu.memory_space<vmem>>
        %dma_wait3A_129 = arith.constant 0 : i32
        %dma_wait3A_130 = arith.constant 0 : i32
        %dma_wait3A_131 = tpu.memref_slice %arg2[%dma_wait3A_129, %dma_wait3A_130] : memref<250000x128xf32, #tpu.memory_space<hbm>> -> memref<250000x128xf32, #tpu.memory_space<hbm>>
        tpu.wait_indirect_dma semaphore(%arg12 : memref<!tpu.dma_semaphore, #tpu.memory_space<semaphore_mem>>) src(%dma_wait3A_131 : memref<250000x128xf32, #tpu.memory_space<hbm>>) dst(%arg9 : memref<32x128xf32, #tpu.memory_space<vmem>>)
        %scan3A_132 = arith.constant 0 : i32
        %scan3A_133 = arith.constant 32 : i32
        %scan3A_134 = arith.addi %scan3A_132, %scan3A_133 : i32
        %scan3A_135 = arith.constant 1 : i32
        scf.for %scan3A_143 = %scan3A_132 to %scan3A_134 step %scan3A_135  : i32 {
          %mul3A_144 = arith.constant 1 : i32
          %mul3A_145 = arith.muli %scan3A_143, %mul3A_144 : i32
          %add3A_146 = arith.constant 0 : i32
          %add3A_147 = arith.addi %add3A_146, %mul3A_145 : i32
          %broadcast_in_dim3A = vector.broadcast %add3A_147 : i32 to vector<16xi32>
          %add3A_148 = arith.constant 96 : i32
          %add3A_149 = arith.addi %mul3A_52, %add3A_148 : i32
          %add3A_150 = vector.broadcast %add3A_149 : i32 to vector<16xi32>
          %add3A_151 = arith.addi %add3A_150, %broadcast_in_dim3A : vector<16xi32>
          %gather3A = arith.constant 0 : i32
          %gather3A_152 = arith.constant 0 : i32
          %gather3A_153 = tpu.memref_slice %arg7[%gather3A, %gather3A_152] : memref<1x3200xi32, #tpu.memory_space<vmem>> -> memref<1x3200xi32, #tpu.memory_space<vmem>>
          %gather3A_154 = tpu.memref_squeeze %gather3A_153 : memref<1x3200xi32, #tpu.memory_space<vmem>> -> memref<3200xi32, #tpu.memory_space<vmem>>
          %gather3A_155 = tpu.vector_load_idx %gather3A_154[%add3A_151] : memref<3200xi32, #tpu.memory_space<vmem>>[vector<16xi32>], vector<16xi32>,
          %add3A_156 = arith.addi %gather3A_155, %iota3A : vector<16xi32>
          %gather3A_157 = tpu.vector_load_idx %arg9[%broadcast_in_dim3A, %add3A_156] : memref<32x128xf32, #tpu.memory_space<vmem>>[vector<16xi32>, vector<16xi32>], vector<16xf32>,
          %add3A_158 = arith.addi %gather3A_155, %iota3A : vector<16xi32>
          %add3A_159 = arith.constant 16 : i32
          %add3A_160 = vector.broadcast %add3A_159 : i32 to vector<16xi32>
          %add3A_161 = arith.addi %add3A_158, %add3A_160 : vector<16xi32>
          %gather3A_162 = tpu.vector_load_idx %arg9[%broadcast_in_dim3A, %add3A_161] : memref<32x128xf32, #tpu.memory_space<vmem>>[vector<16xi32>, vector<16xi32>], vector<16xf32>,
          %add3A_163 = arith.constant 96 : i32
          %add3A_164 = arith.addi %add3A_163, %add3A_147 : i32
          %swap3A = arith.index_cast %add3A_164 : i32 to index
          %swap3A_165 = arith.constant 0 : index
          %swap3A_166 = tpu.vector_load %arg10[%swap3A, %swap3A_165] {strides = array<i32>} : memref<128x32xf32, #tpu.memory_space<vmem>>, vector<16xf32>,
          tpu.vector_store %arg10[%swap3A, %swap3A_165], %gather3A_157 {strides = array<i32>} : memref<128x32xf32, #tpu.memory_space<vmem>>, vector<16xf32>,
          %add3A_167 = arith.constant 96 : i32
          %add3A_168 = arith.addi %add3A_167, %add3A_147 : i32
          %swap3A_169 = arith.index_cast %add3A_168 : i32 to index
          %swap3A_170 = arith.constant 16 : index
          %swap3A_171 = tpu.vector_load %arg10[%swap3A_169, %swap3A_170] {strides = array<i32>} : memref<128x32xf32, #tpu.memory_space<vmem>>, vector<16xf32>,
          tpu.vector_store %arg10[%swap3A_169, %swap3A_170], %gather3A_162 {strides = array<i32>} : memref<128x32xf32, #tpu.memory_space<vmem>>, vector<16xf32>,
        }
        %scan3A_136 = arith.constant 32 : i32
        %dma_start3A_137 = tpu.memref_reshape %arg4 : memref<4096x200x32xf32, #tpu.memory_space<hbm>> -> memref<819200x32xf32, #tpu.memory_space<hbm>>
        %dma_start3A_138 = arith.constant 0 : i32
        %dma_start3A_139 = tpu.memref_slice %dma_start3A_137[%add3A_58, %dma_start3A_138] : memref<819200x32xf32, #tpu.memory_space<hbm>> -> memref<128x32xf32, #tpu.memory_space<hbm>>
        %dma_start3A_140 = tpu.memref_reshape %arg4 : memref<4096x200x32xf32, #tpu.memory_space<hbm>> -> memref<819200x32xf32, #tpu.memory_space<hbm>>
        %dma_start3A_141 = arith.constant 0 : i32
        %dma_start3A_142 = tpu.memref_slice %dma_start3A_140[%add3A_58, %dma_start3A_141] : memref<819200x32xf32, #tpu.memory_space<hbm>> -> memref<128x32xf32, #tpu.memory_space<hbm>>
        tpu.enqueue_dma source(%arg10 : memref<128x32xf32, #tpu.memory_space<vmem>>) target(%dma_start3A_142 : memref<128x32xf32, #tpu.memory_space<hbm>>) target_semaphore(%arg13 : memref<!tpu.dma_semaphore, #tpu.memory_space<semaphore_mem>>)
      }
      %scan3A_45 = arith.constant 25 : i32
    }
    %scan3A_8 = arith.constant 8 : i32
    %dma_wait3A = tpu.memref_reshape %arg4 : memref<4096x200x32xf32, #tpu.memory_space<hbm>> -> memref<819200x32xf32, #tpu.memory_space<hbm>>
    %dma_wait3A_9 = arith.constant 0 : i32
    %dma_wait3A_10 = arith.constant 0 : i32
    %dma_wait3A_11 = tpu.memref_slice %dma_wait3A[%dma_wait3A_9, %dma_wait3A_10] : memref<819200x32xf32, #tpu.memory_space<hbm>> -> memref<128x32xf32, #tpu.memory_space<hbm>>
    %dma_wait3A_12 = tpu.memref_reshape %arg4 : memref<4096x200x32xf32, #tpu.memory_space<hbm>> -> memref<819200x32xf32, #tpu.memory_space<hbm>>
    %dma_wait3A_13 = arith.constant 0 : i32
    %dma_wait3A_14 = arith.constant 0 : i32
    %dma_wait3A_15 = tpu.memref_slice %dma_wait3A_12[%dma_wait3A_13, %dma_wait3A_14] : memref<819200x32xf32, #tpu.memory_space<hbm>> -> memref<128x32xf32, #tpu.memory_space<hbm>>
    tpu.wait_dma2 semaphore(%arg13 : memref<!tpu.dma_semaphore, #tpu.memory_space<semaphore_mem>>) src(%arg10 : memref<128x32xf32, #tpu.memory_space<vmem>>) dst(%dma_wait3A_15 : memref<128x32xf32, #tpu.memory_space<hbm>>)
    return
  }
}

</mosaic_0001>

<sc_bundles>
// kernel: kernel.3.cloned.1.call-start
scs
__scs_entry_jumppad:
0x0: {  	(pc) =	sbr.rel $0x88, $3  }
0x1: {  	(tag) =	ssettag $0x0;
	lr =	simm.s32 $0x1  }
0x2: {  	[smem:$0x3F9F] =	sst lr;
	_ =	strace $0xD0000000  }
0x3: {  	_ = 	snop  }
0x4: {  	_ = 	snop  }
0x5: {  	_ = 	snop  }
0x6: {  	_ = 	snop  }
0x7: {  	_ = 	snop  }
__scs_overlays_trampoline_lowered:
0x8: {  	[smem:$0x3FAE] =	sst s0  }
0x9: {  	[smem:$0x3FAF] =	sst s1  }
0xa: {  	[smem:$0x3FB0] =	sst s2  }
0xb: {  	[smem:$0x3FB1] =	sst s3  }
0xc: {  	[smem:$0x3FB2] =	sst s4  }
0xd: {  	[smem:$0x3FB3] =	sst s5  }
0xe: {  	[smem:$0x3FB4] =	sst s6  }
0xf: {  	[smem:$0x3FB5] =	sst s7  }
0x10: {  	[smem:$0x3FB6] =	sst s8  }
0x11: {  	[smem:$0x3FB7] =	sst s9;
	s0 =	simm.s32 @!p0 $0x0  }
0x12: {  	s1 =	sld [smem:$0x3F9D];
	s0 =	simm.s32 @p0 $0x1  }
0x13: {  	[smem:$0x3FB8] =	sst s0;
	s0 =	simm.s32 @!p1 $0x0  }
0x14: {  	s2 =	sld [smem:$0x3F9C];
	s0 =	simm.s32 @p1 $0x1  }
0x15: {  	[smem:$0x3FB9] =	sst s0;
	s0 =	simm.s32 @!p2 $0x0  }
0x16: {  	s3 =	sld [smem:$0x3FDB];
	s0 =	simm.s32 @p2 $0x1  }
0x17: {  	s4 =	simm.s32 $0x1BF5;
	[smem:$0x3FBB] =	sst s0  }
0x18: {  	s0 =	sld [smem:$0x3F9E];
	_ =	swait.ge [sflag:s4], $0x0  }
0x19: {  	s7 =	sld [smem:$0x3F9F]  }
0x1a: {  	s8 =	sadd.s32 $0xFFFFE003, lr  }
0x1b: {  	s9 =	sadd.s32 $0xFFFFFEF7, lr;
	s5 =	simm.s32 $0xFFFFFFFF;
	p2 =	slt.u32 s8, $0xFFFFF086  }
0x1c: {  	p1 =	slt.u32 s9, $0xF7A;
	s5 =	simm.s32 @!p2 $0x0  }
0x1d: {  	s5 =	simm.s32 @p1 $0x1;
	p0 =	seq.s32 s7, s2  }
0x1e: {  	s7 =	smul.u32 @!p0 $0xF7A, s2;
	p2 =	seq.s32 @!p0 s5, $0x0  }
0x1f: {  	s9 =	smul.u32 $0xF7A, s1;
	s8 =	simm.s32 @!p0 $0x1BF5;
	p2 =	por !p2, p0  }
0x20: {  	[sflag:s8] =	ssyncset.s32 @!p0 $0xFFFFF086;
	s6 =	sadd.s32 @!p0 s3, s7;
	s7 =	simm.s32 @!p0 $0x108  }
0x21: {  	s3 =	sadd.s32 s3, s9;
	s6 =	sadd.s32 @!p0 $0x88, s6;
	s7 =	simm.s32 @p2 $0x1082  }
0x22: {  	[simem:s7], [sflag:s8] =	dma.local @!p0 [hbm:s6], $0xF7A  }
0x23: {  	s9 =	sor.u32 $0xD0000000, s2;
	s6 =	simm.s32 $0x108;
	_ =	swait.ge @!p0 [sflag:s8], $0x0  }
0x24: {  	s3 =	sadd.s32 $0x88, s3;
	s6 =	simm.s32 @!p1 $0x1082;
	[sflag:s4] =	ssyncset.s32 $0xFFFFF086  }
0x25: {  	[simem:s6], [sflag:s4] =	dma.local [hbm:s3], $0xF7A  }
0x26: {  	[smem:$0x3F9F] =	sst s1;
	(tag) =	ssettag s2;
	_ =	strace s9  }
0x27: {  	s1 =	sld [smem:$0x3FAF]  }
0x28: {  	s2 =	sld [smem:$0x3FB0]  }
0x29: {  	s4 =	sld [smem:$0x3FB2]  }
0x2a: {  	p0 =	seq.s32 s5, $0x0;
	s5 =	sld [smem:$0x3FB3]  }
0x2b: {  	s6 =	sld [smem:$0x3FB4]  }
0x2c: {  	s7 =	sld [smem:$0x3FB5]  }
0x2d: {  	s3 =	simm.s32 $0x108;
	s8 =	sld [smem:$0x3FB6]  }
0x2e: {  	s3 =	simm.s32 @!p0 $0x1082;
	s9 =	sld [smem:$0x3FB7]  }
0x2f: {  	lr =	sadd.s32 s0, s3;
	s0 =	sld [smem:$0x3FAE]  }
0x30: {  	s3 =	sld [smem:$0x3FB1]  }
0x31: {  	[smem:$0x3FBA] =	sst s10  }
0x32: {  	s10 =	sld [smem:$0x3FB8];
	_ =	sdelay $0x3  }
0x33: {  	p0 =	seq.s32 s10, $0x1;
	s10 =	sld [smem:$0x3FBA];
	_ =	sdelay $0x3  }
0x34: {  	[smem:$0x3FBA] =	sst s10  }
0x35: {  	s10 =	sld [smem:$0x3FB9];
	_ =	sdelay $0x3  }
0x36: {  	p1 =	seq.s32 s10, $0x1;
	s10 =	sld [smem:$0x3FBA];
	_ =	sdelay $0x3  }
0x37: {  	[smem:$0x3FBA] =	sst s10  }
0x38: {  	s10 =	sld [smem:$0x3FBB]  }
0x39: {  	_ = 	snop;
	(pc) =	sbr.ind lr, $3  }
0x3a: {  	_ = 	snop  }
0x3b: {  	_ = 	snop  }
0x3c: {  	p2 =	seq.s32 s10, $0x1;
	s10 =	sld [smem:$0x3FBA]  }
0x3d: {  	_ =	shalt  }
0x3e: {  	_ =	shalt  }
0x3f: {  	_ =	shalt  }
0x40: {  	_ =	shalt  }
0x41: {  	_ =	shalt  }
0x42: {  	_ =	shalt  }
0x43: {  	_ =	shalt  }
0x44: {  	_ =	shalt  }
0x45: {  	_ =	shalt  }
0x46: {  	_ =	shalt  }
0x47: {  	_ =	shalt  }
0x48: {  	_ =	shalt  }
0x49: {  	_ =	shalt  }
0x4a: {  	_ =	shalt  }
0x4b: {  	_ =	shalt  }
0x4c: {  	_ =	shalt  }
0x4d: {  	_ =	shalt  }
0x4e: {  	_ =	shalt  }
0x4f: {  	_ =	shalt  }
0x50: {  	_ =	shalt  }
0x51: {  	_ =	shalt  }
0x52: {  	_ =	shalt  }
0x53: {  	_ =	shalt  }
0x54: {  	_ =	shalt  }
0x55: {  	_ =	shalt  }
0x56: {  	_ =	shalt  }
0x57: {  	_ =	shalt  }
0x58: {  	_ =	shalt  }
0x59: {  	_ =	shalt  }
0x5a: {  	_ =	shalt  }
0x5b: {  	_ =	shalt  }
0x5c: {  	_ =	shalt  }
0x5d: {  	_ =	shalt  }
0x5e: {  	_ =	shalt  }
0x5f: {  	_ =	shalt  }
0x60: {  	_ =	shalt  }
0x61: {  	_ =	shalt  }
0x62: {  	_ =	shalt  }
0x63: {  	_ =	shalt  }
0x64: {  	_ =	shalt  }
0x65: {  	_ =	shalt  }
0x66: {  	_ =	shalt  }
0x67: {  	_ =	shalt  }
0x68: {  	_ =	shalt  }
0x69: {  	_ =	shalt  }
0x6a: {  	_ =	shalt  }
0x6b: {  	_ =	shalt  }
0x6c: {  	_ =	shalt  }
0x6d: {  	_ =	shalt  }
0x6e: {  	_ =	shalt  }
0x6f: {  	_ =	shalt  }
0x70: {  	_ =	shalt  }
0x71: {  	_ =	shalt  }
0x72: {  	_ =	shalt  }
0x73: {  	_ =	shalt  }
0x74: {  	_ =	shalt  }
0x75: {  	_ =	shalt  }
0x76: {  	_ =	shalt  }
0x77: {  	_ =	shalt  }
0x78: {  	_ =	shalt  }
0x79: {  	_ =	shalt  }
0x7a: {  	_ =	shalt  }
0x7b: {  	_ =	shalt  }
0x7c: {  	_ =	shalt  }
0x7d: {  	_ =	shalt  }
0x7e: {  	_ =	shalt  }
0x7f: {  	_ =	shalt  }
0x80: {  	_ =	shalt  }
0x81: {  	_ =	shalt  }
0x82: {  	_ =	shalt  }
0x83: {  	_ =	shalt  }
0x84: {  	_ =	shalt  }
0x85: {  	_ =	shalt  }
0x86: {  	_ =	shalt  }
0x87: {  	_ =	shalt  }
.Lfunc_end0:
.L_simem_size_0:
called_computation_lowered:
.L_overlay_start_0:
0x88: {  	s2 =	sld [smem:$0x3FD9]  }
0x89: {  	s3 =	sld [smem:$0x3FFE];
	_ =	sdelay $0x1  }
0x8a: {  	s1 =	srdreg.scid  }
0x8b: {  	s0 =	sand.u32 $0x1, s1  }
0x8c: {  	s17 =	sshll.u32 s0, $0xA;
	s2 =	sadd.s32 s3, s2  }
0x8d: {  	s2 =	sadd.s32 s2, s17  }
0x8e: {  	[smem:$0x3FC6] =	sst s2  }
0x8f: {  	_ = 	snop  }
0x90: {  	s2 =	sld [smem:$0x3FD0];
	(tm) =	ssettm $0x1  }
0x91: {  	s18 =	sld [smem:$0x3FFB];
	_ =	sdelay $0x3  }
0x92: {  	_ =	strace s18  }
0x93: {  	s3 =	sld [smem:$0x3FFC];
	_ =	sdelay $0x3  }
0x94: {  	_ =	strace s3  }
0x95: {  	s3 =	sld [smem:$0x3FFD];
	_ =	sdelay $0x3  }
0x96: {  	_ =	strace s3  }
0x97: {  	_ =	strace $0x8FFFFFFF  }
0x98: {  	s19 =	sld [smem:$0x3FDB];
	_ =	sdelay $0x1  }
0x99: {  	s4 =	simm.s32 $_scs_section_size  }
0x9a: {  	s5 =	simm.s32 $_size__tile_overlayer_lowered;
	s6 =	simm.s32 $_tile_overlayer_lowered  }
0x9b: {  	s22 =	simm.s32 $0x1BFF;
	s21 =	sshll.u32 s6, $0x1;
	s3 =	sadd.s32 s4, s19  }
0x9c: {  	s7 =	simm.s32 $0x0;
	s20 =	sshll.u32 s5, $0x1;
	s5 =	sadd.s32 s21, s3  }
0x9d: {  	[timem:s7], [sflag:s22] =	dma.local [hbm:s5], s20  }
0x9e: {  	_ =	swait.ge [sflag:s22], s20  }
0x9f: {  	s4 =	ssub.s32 $0x0, s20;
	[sflag:s22] =	ssyncset.done $0x0  }
0xa0: {  	[sflag:s22] =	ssyncadd.s32 s4;
	_ =	sdelay $0x1  }
0xa1: {  	s23 =	simm.s32 $0x1B8B  }
0xa2: {  	_ =	swait.ge [sflag:s23], $0x1  }
0xa3: {  	[sflag:s23] =	ssyncset.done $0x0  }
0xa4: {  	s25 =	simm.s32 $0x1B8E;
	s24 =	sld [smem:$0x3FFE];
	[sflag:s23] =	ssyncadd.s32 $0xFFFFFFFF  }
0xa5: {  	s26 =	simm.s32 $execute0_lowered;
	[smem:$0x3FD2] =	sst s25  }
0xa6: {  	s5 =	sshll.u32 s26, $0x1;
	_ =	strace $0x80000046;
	[dreg:$0x1] =	wrdreg $0xFFFFFFFF  }
0xa7: {  	s28 =	simm.s32 $_size_execute0_lowered;
	s3 =	sadd.s32 s3, s5;
	[dreg:$0x0] =	wrdreg $0x0  }
0xa8: {  	s5 =	sshll.u32 s28, $0x1;
	[dreg:$0x2] =	wrdreg s3  }
0xa9: {  	[dreg:$0x3] =	wrdreg s5  }
0xaa: {  	[dreg:$0x4] =	wrdreg $0xC0  }
0xab: {  	_ =	task [dreg:s7], $0x5FFFF  }
0xac: {  	[dreg:$0x1] =	wrdreg $0xFFFFFFFF  }
0xad: {  	[dreg:$0x0] =	wrdreg $0x60  }
0xae: {  	[dreg:$0x2] =	wrdreg s24  }
0xaf: {  	[dreg:$0x3] =	wrdreg s2  }
0xb0: {  	[dreg:$0x4] =	wrdreg $0x9  }
0xb1: {  	_ =	task.clear_ibuf [dreg:s7], $0x5FFFF;
	_ =	strace $0x90000046  }
0xb2: {  	s29 =	simm.s32 $0x9;
	_ =	strace $0x80000048  }
0xb3: {  	_ =	swait.ge [sflag:s29], $0x1  }
0xb4: {  	[sflag:s29] =	ssyncadd.s32 $0xFFFFFFFF  }
0xb5: {  	_ =	strace $0x90000048  }
0xb6: {  	_ =	sfence  }
0xb7: {  	s30 =	sld [smem:$0x0];
	_ =	sdelay $0x2  }
0xb8: {  	s31 =	sshll.u32 s1, $0xD;
	s1 =	sshrl.u32 s1, $0x2  }
0xb9: {  	s3 =	sand.u32 $0x4000, s31;
	s1 =	sadd.s32 s1, s30  }
0xba: {  	s0 =	sor.u32 s3, s0;
	s1 =	sshll.u32 s1, $0x11  }
0xbb: {  	s0 =	sor.u32 s1, s0  }
0xbc: {  	s0 =	sadd.s32 $0x8F2B, s0  }
0xbd: {  	[sflag:s0] =	ssyncadd.remote.s32 $0x1  }
0xbe: {  	_ =	sfence.sel $0xFFFF  }
0xbf: {  	[dreg:$0x0] =	wrdreg $0xFFFFFFFF;
	(pc) =	sbr.abs _section_cstart, $3  }
0xc0: {  	[dreg:$0x1] =	wrdreg $0xFFFFFFFF  }
0xc1: {  	_ =	task.clear_ibuf [dreg:s7], $0x2FFFF;
	_ =	strace $0x9FFFFFFF  }
0xc2: {  	(tm) =	ssettm $0x7FFFFFFF  }
0xc3: {  	_ =	shalt  }
tec
execute0_lowered:
.L_overlay_start_1:
0x0: {  	(tag) =	ssettag $0x1  }
0x1: {  	s5 =	rddreg [dreg:$0x0]  }
0x2: {  	s1 =	rddreg [dreg:$0x1]  }
0x3: {  	s3 =	simm.s32 $0x0;
	s4 =	srdreg.scid;
	s0 =	stileid.u32  }
0x4: {  	s10 =	simm.s32 $0x4;
	s11 =	simm.s32 $0x20;
	s12 =	simm.s32 $0x2100  }
0x5: {  	s13 =	simm.s32 $0x3100;
	s14 =	simm.s32 $0x1;
	s15 =	simm.s32 $0x1480  }
0x6: {  	s16 =	simm.s32 $0x2;
	s17 =	simm.s32 $0x4100;
	s18 =	simm.s32 $0x3  }
0x7: {  	s19 =	simm.s32 $0x0;
	[smem:$0x7FF] =	sst s3;
	s6 =	sand.u32 $0x1, s4  }
0x8: {  	s4 =	sadd.s32 $0xF42A00, s5;
	s8 =	sshll.u32 s0, $0x1;
	s7 =	ssub.s32 $0x2, s6  }
0x9: {  	s5 =	sadd.s32 $0x600, s5;
	s8 =	sor.u32 s6, s8;
	s9 =	sshrl.u32 s7, $0x1  }
0xa: {  	v0 =	vlaneseq.u32;
	_ =	strace $0x80000047;
	s6 =	sshll.u32 s8, $0xC;
	s9 =	ssub.s32 s7, s9  }
0xb: {  	v1 =	vor.u32 $0x10, v0;
	s7 =	smul.u32 $0x6400, s8;
	s8 =	sadd.s32 $0x100, s1;
	s9 =	smax.u32 s9, $0x1  }
.LBB2_1:
0xc: {  	s20 =	simm.s32 $0x0  }
.LBB2_2:
0xd: {  	s21 =	sshll.u32 s20, $0x9  }
0xe: {  	s21 =	sadd.s32 s6, s21  }
0xf: {  	s22 =	simm.s32 $0x0;
	s23 =	sadd.s32 s1, s21  }
0x10: {  	[tilespmem:s22], [sflag:$0x4] =	stream.linear.gather [hbm4b:s23+s22], $0x800, $0x38;
	[tilespmem:$0x8100] =	vst v63  }
0x11: {  	_ =	swait.ge [sflag:s10], $0x800  }
0x12: {  	[sflag:s10] =	ssyncset.done $0x0  }
0x13: {  	[sflag:s10] =	ssyncadd.s32 $0xFFFFF800  }
0x14: {  	v2 =	vld [tilespmem:s22+$0x0];
	_ =	sdelay $0x4  }
0x15: {  	s23 =	simm.s32 $0x860;
	v3 =	vshra.s32 v2, $0x2;
	v2 =	vshll.u32 v2, $0x5  }
0x16: {  	s24 =	simm.s32 $0x14E0;
	[tilespmem:s23+$0xFFFFFFA0] =	vst v3;
	v2 =	vand.u32 $0x60, v2  }
0x17: {  	[tilespmem:s24+$0xFFFFFFA0] =	vst v2  }
0x18: {  	v2 =	vld [tilespmem:s22+$0x10];
	_ =	sdelay $0x4  }
0x19: {  	v3 =	vshra.s32 v2, $0x2;
	v2 =	vshll.u32 v2, $0x5  }
0x1a: {  	[tilespmem:s23+$0xFFFFFFB0] =	vst v3;
	v2 =	vand.u32 $0x60, v2  }
0x1b: {  	[tilespmem:s24+$0xFFFFFFB0] =	vst v2  }
0x1c: {  	v2 =	vld [tilespmem:s22+$0x20];
	_ =	sdelay $0x4  }
0x1d: {  	v3 =	vshra.s32 v2, $0x2;
	v2 =	vshll.u32 v2, $0x5  }
0x1e: {  	[tilespmem:s23+$0xFFFFFFC0] =	vst v3;
	v2 =	vand.u32 $0x60, v2  }
0x1f: {  	[tilespmem:s24+$0xFFFFFFC0] =	vst v2  }
0x20: {  	v2 =	vld [tilespmem:s22+$0x30];
	_ =	sdelay $0x4  }
0x21: {  	v3 =	vshra.s32 v2, $0x2;
	v2 =	vshll.u32 v2, $0x5  }
0x22: {  	[tilespmem:s23+$0xFFFFFFD0] =	vst v3;
	v2 =	vand.u32 $0x60, v2  }
0x23: {  	[tilespmem:s24+$0xFFFFFFD0] =	vst v2  }
0x24: {  	v2 =	vld [tilespmem:s22+$0x40];
	_ =	sdelay $0x4  }
0x25: {  	v3 =	vshra.s32 v2, $0x2;
	v2 =	vshll.u32 v2, $0x5  }
0x26: {  	[tilespmem:s23+$0xFFFFFFE0] =	vst v3;
	v2 =	vand.u32 $0x60, v2  }
0x27: {  	[tilespmem:s24+$0xFFFFFFE0] =	vst v2  }
0x28: {  	v2 =	vld [tilespmem:s22+$0x50];
	_ =	sdelay $0x4  }
0x29: {  	v3 =	vshra.s32 v2, $0x2;
	v2 =	vshll.u32 v2, $0x5  }
0x2a: {  	[tilespmem:s23+$0xFFFFFFF0] =	vst v3;
	v2 =	vand.u32 $0x60, v2  }
0x2b: {  	[tilespmem:s24+$0xFFFFFFF0] =	vst v2  }
0x2c: {  	v2 =	vld [tilespmem:s22+$0x60];
	_ =	sdelay $0x4  }
0x2d: {  	v3 =	vshra.s32 v2, $0x2;
	v2 =	vshll.u32 v2, $0x5  }
0x2e: {  	[tilespmem:s23+$0x0] =	vst v3;
	v2 =	vand.u32 $0x60, v2  }
0x2f: {  	[tilespmem:s24+$0x0] =	vst v2  }
0x30: {  	v2 =	vld [tilespmem:s22+$0x70];
	_ =	sdelay $0x4  }
0x31: {  	v3 =	vshra.s32 v2, $0x2;
	v2 =	vshll.u32 v2, $0x5  }
0x32: {  	[tilespmem:s23+$0x10] =	vst v3;
	v2 =	vand.u32 $0x60, v2  }
0x33: {  	[tilespmem:s24+$0x10] =	vst v2  }
0x34: {  	v2 =	vld [tilespmem:s22+$0x400];
	_ =	sdelay $0x4  }
0x35: {  	s25 =	sand.u32 $0x7F8, s22;
	v3 =	vshra.s32 v2, $0x2;
	v2 =	vshll.u32 v2, $0x5  }
0x36: {  	[tilespmem:s25+$0x880] =	vst v3;
	v2 =	vand.u32 $0x60, v2  }
0x37: {  	[tilespmem:s25+$0x1500] =	vst v2  }
0x38: {  	v2 =	vld [tilespmem:s22+$0x410];
	_ =	sdelay $0x4  }
0x39: {  	v3 =	vshra.s32 v2, $0x2;
	v2 =	vshll.u32 v2, $0x5  }
0x3a: {  	[tilespmem:s23+$0x30] =	vst v3;
	v2 =	vand.u32 $0x60, v2  }
0x3b: {  	[tilespmem:s24+$0x30] =	vst v2  }
0x3c: {  	v2 =	vld [tilespmem:s22+$0x420];
	_ =	sdelay $0x4  }
0x3d: {  	v3 =	vshra.s32 v2, $0x2;
	v2 =	vshll.u32 v2, $0x5  }
0x3e: {  	[tilespmem:s23+$0x40] =	vst v3;
	v2 =	vand.u32 $0x60, v2  }
0x3f: {  	[tilespmem:s24+$0x40] =	vst v2  }
0x40: {  	v2 =	vld [tilespmem:s22+$0x430];
	_ =	sdelay $0x4  }
0x41: {  	v3 =	vshra.s32 v2, $0x2;
	v2 =	vshll.u32 v2, $0x5  }
0x42: {  	[tilespmem:s23+$0x50] =	vst v3;
	v2 =	vand.u32 $0x60, v2  }
0x43: {  	[tilespmem:s24+$0x50] =	vst v2  }
0x44: {  	v2 =	vld [tilespmem:s22+$0x438];
	_ =	sdelay $0x4  }
0x45: {  	v3 =	vshra.s32 v2, $0x2;
	v2 =	vshll.u32 v2, $0x5  }
0x46: {  	s25 =	simm.s32 $0xC8;
	[tilespmem:s23+$0x58] =	vst v3;
	v2 =	vand.u32 $0x60, v2  }
.LBB2_3:
0x47: {  	[tilespmem:s24+$0x58] =	vst v2;
	s22 =	sadd.s32 $0x80, s22;
	s24 =	sadd.s32 $0xC8, s24;
	s23 =	sadd.s32 $0xC8, s23  }
0x48: {  	p0 =	sne.s32 s25, $0x578;
	s26 =	smov.u32 s25;
	s25 =	sadd.s32 $0xC8, s25;
	v2 =	vld [tilespmem:s22+$0x0]  }
0x49: {  	_ =	sdelay $0x3  }
0x4a: {  	v3 =	vshra.s32 v2, $0x2;
	v2 =	vshll.u32 v2, $0x5  }
0x4b: {  	[tilespmem:s23+$0xFFFFFFA0] =	vst v3;
	v2 =	vand.u32 $0x60, v2  }
0x4c: {  	[tilespmem:s24+$0xFFFFFFA0] =	vst v2  }
0x4d: {  	v2 =	vld [tilespmem:s22+$0x10];
	_ =	sdelay $0x4  }
0x4e: {  	v3 =	vshra.s32 v2, $0x2;
	v2 =	vshll.u32 v2, $0x5  }
0x4f: {  	[tilespmem:s23+$0xFFFFFFB0] =	vst v3;
	v2 =	vand.u32 $0x60, v2  }
0x50: {  	[tilespmem:s24+$0xFFFFFFB0] =	vst v2  }
0x51: {  	v2 =	vld [tilespmem:s22+$0x20];
	_ =	sdelay $0x4  }
0x52: {  	v3 =	vshra.s32 v2, $0x2;
	v2 =	vshll.u32 v2, $0x5  }
0x53: {  	[tilespmem:s23+$0xFFFFFFC0] =	vst v3;
	v2 =	vand.u32 $0x60, v2  }
0x54: {  	[tilespmem:s24+$0xFFFFFFC0] =	vst v2  }
0x55: {  	v2 =	vld [tilespmem:s22+$0x30];
	_ =	sdelay $0x4  }
0x56: {  	v3 =	vshra.s32 v2, $0x2;
	v2 =	vshll.u32 v2, $0x5  }
0x57: {  	[tilespmem:s23+$0xFFFFFFD0] =	vst v3;
	v2 =	vand.u32 $0x60, v2  }
0x58: {  	[tilespmem:s24+$0xFFFFFFD0] =	vst v2  }
0x59: {  	v2 =	vld [tilespmem:s22+$0x40];
	_ =	sdelay $0x4  }
0x5a: {  	v3 =	vshra.s32 v2, $0x2;
	v2 =	vshll.u32 v2, $0x5  }
0x5b: {  	[tilespmem:s23+$0xFFFFFFE0] =	vst v3;
	v2 =	vand.u32 $0x60, v2  }
0x5c: {  	[tilespmem:s24+$0xFFFFFFE0] =	vst v2  }
0x5d: {  	v2 =	vld [tilespmem:s22+$0x50];
	_ =	sdelay $0x4  }
0x5e: {  	v3 =	vshra.s32 v2, $0x2;
	v2 =	vshll.u32 v2, $0x5  }
0x5f: {  	[tilespmem:s23+$0xFFFFFFF0] =	vst v3;
	v2 =	vand.u32 $0x60, v2  }
0x60: {  	[tilespmem:s24+$0xFFFFFFF0] =	vst v2  }
0x61: {  	v2 =	vld [tilespmem:s22+$0x60];
	_ =	sdelay $0x4  }
0x62: {  	v3 =	vshra.s32 v2, $0x2;
	v2 =	vshll.u32 v2, $0x5  }
0x63: {  	[tilespmem:s23+$0x0] =	vst v3;
	v2 =	vand.u32 $0x60, v2  }
0x64: {  	[tilespmem:s24+$0x0] =	vst v2  }
0x65: {  	v2 =	vld [tilespmem:s22+$0x70];
	_ =	sdelay $0x4  }
0x66: {  	v3 =	vshra.s32 v2, $0x2;
	v2 =	vshll.u32 v2, $0x5  }
0x67: {  	[tilespmem:s23+$0x10] =	vst v3;
	v2 =	vand.u32 $0x60, v2  }
0x68: {  	[tilespmem:s24+$0x10] =	vst v2  }
0x69: {  	v2 =	vld [tilespmem:s22+$0x400];
	_ =	sdelay $0x4  }
0x6a: {  	s26 =	sand.u32 $0x7F8, s26;
	v3 =	vshra.s32 v2, $0x2;
	v2 =	vshll.u32 v2, $0x5  }
0x6b: {  	[tilespmem:s26+$0x880] =	vst v3;
	v2 =	vand.u32 $0x60, v2  }
0x6c: {  	[tilespmem:s26+$0x1500] =	vst v2  }
0x6d: {  	v2 =	vld [tilespmem:s22+$0x410];
	_ =	sdelay $0x4  }
0x6e: {  	v3 =	vshra.s32 v2, $0x2;
	v2 =	vshll.u32 v2, $0x5  }
0x6f: {  	[tilespmem:s23+$0x30] =	vst v3;
	v2 =	vand.u32 $0x60, v2  }
0x70: {  	[tilespmem:s24+$0x30] =	vst v2  }
0x71: {  	v2 =	vld [tilespmem:s22+$0x420];
	_ =	sdelay $0x4  }
0x72: {  	v3 =	vshra.s32 v2, $0x2;
	v2 =	vshll.u32 v2, $0x5  }
0x73: {  	[tilespmem:s23+$0x40] =	vst v3;
	v2 =	vand.u32 $0x60, v2  }
0x74: {  	[tilespmem:s24+$0x40] =	vst v2  }
0x75: {  	v2 =	vld [tilespmem:s22+$0x430];
	_ =	sdelay $0x4  }
0x76: {  	v3 =	vshra.s32 v2, $0x2;
	v2 =	vshll.u32 v2, $0x5  }
0x77: {  	[tilespmem:s23+$0x50] =	vst v3;
	v2 =	vand.u32 $0x60, v2  }
0x78: {  	[tilespmem:s24+$0x50] =	vst v2  }
0x79: {  	v2 =	vld [tilespmem:s22+$0x438];
	_ =	sdelay $0x1  }
.Ltmp0:
0x7a: {  	(pc) =	sbr.rel @p0 .LBB2_3-.Ltmp0, $3  }
0x7b: {  	_ =	sdelay $0x1  }
0x7c: {  	v3 =	vshra.s32 v2, $0x2;
	v2 =	vshll.u32 v2, $0x5  }
0x7d: {  	[tilespmem:s23+$0x58] =	vst v3;
	v2 =	vand.u32 $0x60, v2  }
0x7e: {  	[tilespmem:s24+$0x58] =	vst v2;
	s22 =	sadd.s32 s21, s8;
	s21 =	simm.s32 $0x0  }
0x7f: {  	[tilespmem:s21], [sflag:$0x4] =	stream.linear.gather [hbm4b:s22+s21], $0x800, $0x38;
	[tilespmem:$0x8100] =	vst v63  }
0x80: {  	_ =	swait.ge [sflag:s10], $0x800  }
0x81: {  	[sflag:s10] =	ssyncset.done $0x0  }
0x82: {  	[sflag:s10] =	ssyncadd.s32 $0xFFFFF800  }
0x83: {  	v2 =	vld [tilespmem:s21+$0x0];
	_ =	sdelay $0x4  }
0x84: {  	s23 =	simm.s32 $0xEF8;
	v3 =	vshra.s32 v2, $0x2;
	v2 =	vshll.u32 v2, $0x5  }
0x85: {  	s22 =	simm.s32 $0x1B78;
	[tilespmem:s23+$0xFFFFFF48] =	vst v3;
	v2 =	vand.u32 $0x60, v2  }
0x86: {  	[tilespmem:s22+$0xFFFFFF48] =	vst v2  }
0x87: {  	v2 =	vld [tilespmem:s21+$0x10];
	_ =	sdelay $0x4  }
0x88: {  	v3 =	vshra.s32 v2, $0x2;
	v2 =	vshll.u32 v2, $0x5  }
0x89: {  	[tilespmem:s23+$0xFFFFFF58] =	vst v3;
	v2 =	vand.u32 $0x60, v2  }
0x8a: {  	[tilespmem:s22+$0xFFFFFF58] =	vst v2  }
0x8b: {  	v2 =	vld [tilespmem:s21+$0x20];
	_ =	sdelay $0x4  }
0x8c: {  	v3 =	vshra.s32 v2, $0x2;
	v2 =	vshll.u32 v2, $0x5  }
0x8d: {  	[tilespmem:s23+$0xFFFFFF68] =	vst v3;
	v2 =	vand.u32 $0x60, v2  }
0x8e: {  	[tilespmem:s22+$0xFFFFFF68] =	vst v2  }
0x8f: {  	v2 =	vld [tilespmem:s21+$0x30];
	_ =	sdelay $0x4  }
0x90: {  	v3 =	vshra.s32 v2, $0x2;
	v2 =	vshll.u32 v2, $0x5  }
0x91: {  	[tilespmem:s23+$0xFFFFFF78] =	vst v3;
	v2 =	vand.u32 $0x60, v2  }
0x92: {  	[tilespmem:s22+$0xFFFFFF78] =	vst v2  }
0x93: {  	v2 =	vld [tilespmem:s21+$0x40];
	_ =	sdelay $0x4  }
0x94: {  	s31 =	sand.u32 $0x7F8, s21;
	v3 =	vshra.s32 v2, $0x2;
	v2 =	vshll.u32 v2, $0x5  }
0x95: {  	[tilespmem:s31+$0xE80] =	vst v3;
	v2 =	vand.u32 $0x60, v2  }
0x96: {  	[tilespmem:s31+$0x1B00] =	vst v2  }
0x97: {  	v2 =	vld [tilespmem:s21+$0x50];
	_ =	sdelay $0x4  }
0x98: {  	v3 =	vshra.s32 v2, $0x2;
	v2 =	vshll.u32 v2, $0x5  }
0x99: {  	[tilespmem:s23+$0xFFFFFF98] =	vst v3;
	v2 =	vand.u32 $0x60, v2  }
0x9a: {  	[tilespmem:s22+$0xFFFFFF98] =	vst v2  }
0x9b: {  	v2 =	vld [tilespmem:s21+$0x60];
	_ =	sdelay $0x4  }
0x9c: {  	v3 =	vshra.s32 v2, $0x2;
	v2 =	vshll.u32 v2, $0x5  }
0x9d: {  	[tilespmem:s23+$0xFFFFFFA8] =	vst v3;
	v2 =	vand.u32 $0x60, v2  }
0x9e: {  	[tilespmem:s22+$0xFFFFFFA8] =	vst v2  }
0x9f: {  	v2 =	vld [tilespmem:s21+$0x70];
	_ =	sdelay $0x4  }
0xa0: {  	v3 =	vshra.s32 v2, $0x2;
	v2 =	vshll.u32 v2, $0x5  }
0xa1: {  	[tilespmem:s23+$0xFFFFFFB8] =	vst v3;
	v2 =	vand.u32 $0x60, v2  }
0xa2: {  	[tilespmem:s22+$0xFFFFFFB8] =	vst v2  }
0xa3: {  	v2 =	vld [tilespmem:s21+$0x400];
	_ =	sdelay $0x4  }
0xa4: {  	v3 =	vshra.s32 v2, $0x2;
	v2 =	vshll.u32 v2, $0x5  }
0xa5: {  	[tilespmem:s23+$0xFFFFFFC8] =	vst v3;
	v2 =	vand.u32 $0x60, v2  }
0xa6: {  	[tilespmem:s22+$0xFFFFFFC8] =	vst v2  }
0xa7: {  	v2 =	vld [tilespmem:s21+$0x410];
	_ =	sdelay $0x4  }
0xa8: {  	v3 =	vshra.s32 v2, $0x2;
	v2 =	vshll.u32 v2, $0x5  }
0xa9: {  	[tilespmem:s23+$0xFFFFFFD8] =	vst v3;
	v2 =	vand.u32 $0x60, v2  }
0xaa: {  	[tilespmem:s22+$0xFFFFFFD8] =	vst v2  }
0xab: {  	v2 =	vld [tilespmem:s21+$0x420];
	_ =	sdelay $0x4  }
0xac: {  	v3 =	vshra.s32 v2, $0x2;
	v2 =	vshll.u32 v2, $0x5  }
0xad: {  	[tilespmem:s23+$0xFFFFFFE8] =	vst v3;
	v2 =	vand.u32 $0x60, v2  }
0xae: {  	[tilespmem:s22+$0xFFFFFFE8] =	vst v2  }
0xaf: {  	v2 =	vld [tilespmem:s21+$0x430];
	_ =	sdelay $0x4  }
0xb0: {  	v3 =	vshra.s32 v2, $0x2;
	v2 =	vshll.u32 v2, $0x5  }
0xb1: {  	[tilespmem:s23+$0xFFFFFFF8] =	vst v3;
	v2 =	vand.u32 $0x60, v2  }
0xb2: {  	[tilespmem:s22+$0xFFFFFFF8] =	vst v2  }
0xb3: {  	v2 =	vld [tilespmem:s21+$0x438];
	_ =	sdelay $0x4  }
0xb4: {  	v3 =	vshra.s32 v2, $0x2;
	v2 =	vshll.u32 v2, $0x5  }
0xb5: {  	s24 =	simm.s32 $0xC8;
	[tilespmem:s23+$0x0] =	vst v3;
	v2 =	vand.u32 $0x60, v2  }
.LBB2_5:
0xb6: {  	[tilespmem:s22+$0x0] =	vst v2;
	s21 =	sadd.s32 $0x80, s21;
	s22 =	sadd.s32 $0xC8, s22;
	s23 =	sadd.s32 $0xC8, s23  }
0xb7: {  	p0 =	seq.s32 s24, $0x578;
	s25 =	smov.u32 s24;
	s24 =	sadd.s32 $0xC8, s24;
	v2 =	vld [tilespmem:s21+$0x0]  }
0xb8: {  	_ =	sdelay $0x3  }
0xb9: {  	v3 =	vshra.s32 v2, $0x2;
	v2 =	vshll.u32 v2, $0x5  }
0xba: {  	[tilespmem:s23+$0xFFFFFF48] =	vst v3;
	v2 =	vand.u32 $0x60, v2  }
0xbb: {  	[tilespmem:s22+$0xFFFFFF48] =	vst v2  }
0xbc: {  	v2 =	vld [tilespmem:s21+$0x10];
	_ =	sdelay $0x4  }
0xbd: {  	v3 =	vshra.s32 v2, $0x2;
	v2 =	vshll.u32 v2, $0x5  }
0xbe: {  	[tilespmem:s23+$0xFFFFFF58] =	vst v3;
	v2 =	vand.u32 $0x60, v2  }
0xbf: {  	[tilespmem:s22+$0xFFFFFF58] =	vst v2  }
0xc0: {  	v2 =	vld [tilespmem:s21+$0x20];
	_ =	sdelay $0x4  }
0xc1: {  	v3 =	vshra.s32 v2, $0x2;
	v2 =	vshll.u32 v2, $0x5  }
0xc2: {  	[tilespmem:s23+$0xFFFFFF68] =	vst v3;
	v2 =	vand.u32 $0x60, v2  }
0xc3: {  	[tilespmem:s22+$0xFFFFFF68] =	vst v2  }
0xc4: {  	v2 =	vld [tilespmem:s21+$0x30];
	_ =	sdelay $0x4  }
0xc5: {  	v3 =	vshra.s32 v2, $0x2;
	v2 =	vshll.u32 v2, $0x5  }
0xc6: {  	[tilespmem:s23+$0xFFFFFF78] =	vst v3;
	v2 =	vand.u32 $0x60, v2  }
0xc7: {  	[tilespmem:s22+$0xFFFFFF78] =	vst v2  }
0xc8: {  	v2 =	vld [tilespmem:s21+$0x40];
	_ =	sdelay $0x4  }
0xc9: {  	s25 =	sand.u32 $0x7F8, s25;
	v3 =	vshra.s32 v2, $0x2;
	v2 =	vshll.u32 v2, $0x5  }
0xca: {  	[tilespmem:s25+$0xE80] =	vst v3;
	v2 =	vand.u32 $0x60, v2  }
0xcb: {  	[tilespmem:s25+$0x1B00] =	vst v2  }
0xcc: {  	v2 =	vld [tilespmem:s21+$0x50];
	_ =	sdelay $0x4  }
0xcd: {  	v3 =	vshra.s32 v2, $0x2;
	v2 =	vshll.u32 v2, $0x5  }
0xce: {  	[tilespmem:s23+$0xFFFFFF98] =	vst v3;
	v2 =	vand.u32 $0x60, v2  }
0xcf: {  	[tilespmem:s22+$0xFFFFFF98] =	vst v2  }
0xd0: {  	v2 =	vld [tilespmem:s21+$0x60];
	_ =	sdelay $0x4  }
0xd1: {  	v3 =	vshra.s32 v2, $0x2;
	v2 =	vshll.u32 v2, $0x5  }
0xd2: {  	[tilespmem:s23+$0xFFFFFFA8] =	vst v3;
	v2 =	vand.u32 $0x60, v2  }
0xd3: {  	[tilespmem:s22+$0xFFFFFFA8] =	vst v2  }
0xd4: {  	v2 =	vld [tilespmem:s21+$0x70];
	_ =	sdelay $0x4  }
0xd5: {  	v3 =	vshra.s32 v2, $0x2;
	v2 =	vshll.u32 v2, $0x5  }
0xd6: {  	[tilespmem:s23+$0xFFFFFFB8] =	vst v3;
	v2 =	vand.u32 $0x60, v2  }
0xd7: {  	[tilespmem:s22+$0xFFFFFFB8] =	vst v2  }
0xd8: {  	v2 =	vld [tilespmem:s21+$0x400];
	_ =	sdelay $0x4  }
0xd9: {  	v3 =	vshra.s32 v2, $0x2;
	v2 =	vshll.u32 v2, $0x5  }
0xda: {  	[tilespmem:s23+$0xFFFFFFC8] =	vst v3;
	v2 =	vand.u32 $0x60, v2  }
0xdb: {  	[tilespmem:s22+$0xFFFFFFC8] =	vst v2  }
0xdc: {  	v2 =	vld [tilespmem:s21+$0x410];
	_ =	sdelay $0x4  }
0xdd: {  	v3 =	vshra.s32 v2, $0x2;
	v2 =	vshll.u32 v2, $0x5  }
0xde: {  	[tilespmem:s23+$0xFFFFFFD8] =	vst v3;
	v2 =	vand.u32 $0x60, v2  }
0xdf: {  	[tilespmem:s22+$0xFFFFFFD8] =	vst v2  }
0xe0: {  	v2 =	vld [tilespmem:s21+$0x420];
	_ =	sdelay $0x4  }
0xe1: {  	v3 =	vshra.s32 v2, $0x2;
	v2 =	vshll.u32 v2, $0x5  }
0xe2: {  	[tilespmem:s23+$0xFFFFFFE8] =	vst v3;
	v2 =	vand.u32 $0x60, v2  }
0xe3: {  	[tilespmem:s22+$0xFFFFFFE8] =	vst v2  }
0xe4: {  	v2 =	vld [tilespmem:s21+$0x430];
	_ =	sdelay $0x4  }
0xe5: {  	v3 =	vshra.s32 v2, $0x2;
	v2 =	vshll.u32 v2, $0x5  }
0xe6: {  	[tilespmem:s23+$0xFFFFFFF8] =	vst v3;
	v2 =	vand.u32 $0x60, v2  }
0xe7: {  	[tilespmem:s22+$0xFFFFFFF8] =	vst v2  }
0xe8: {  	v2 =	vld [tilespmem:s21+$0x438];
	_ =	sdelay $0x1  }
.Ltmp1:
0xe9: {  	(pc) =	sbr.rel @!p0 .LBB2_5-.Ltmp1, $3  }
0xea: {  	_ =	sdelay $0x1  }
0xeb: {  	v3 =	vshra.s32 v2, $0x2;
	v2 =	vshll.u32 v2, $0x5  }
0xec: {  	[tilespmem:s23+$0x0] =	vst v3;
	v2 =	vand.u32 $0x60, v2  }
0xed: {  	s21 =	smul.u32 $0xC80, s20;
	_ =	sdelay $0x1  }
0xee: {  	[tilespmem:s22+$0x0] =	vst v2;
	s22 =	simm.s32 $0x0;
	s21 =	sadd.s32 s7, s21  }
.LBB2_7:
0xef: {  	s24 =	sshll.u32 s22, $0x7  }
0xf0: {  	s25 =	sand.u32 $0x3FFFFF80, s24  }
0xf1: {  	s23 =	sadd.s32 $0x800, s25  }
0xf2: {  	[tilespmem:s12], [sflag:$0x1] =	stream.indirect.gather [hbm4b:s4+s11], $0x80, s23, s11, $0xb8;
	[tilespmem:$0x8100] =	vst v63  }
0xf3: {  	s0 =	sadd.s32 $0x820, s25  }
0xf4: {  	[tilespmem:s13], [sflag:$0x2] =	stream.indirect.gather [hbm4b:s4+s11], $0x80, s0, s11, $0xb8;
	[tilespmem:$0x8100] =	vst v63  }
0xf5: {  	s2 =	sor.u32 s20, s22;
	s26 =	sadd.s32 $0x0, s24;
	_ =	swait.ge [sflag:s14], $0x1000  }
0xf6: {  	p0 =	seq.s32 s2, $0x0;
	v2 =	vmov s26;
	[sflag:s14] =	ssyncset.done $0x0  }
0xf7: {  	s23 =	simm.s32 @!p0 $0x3;
	[sflag:s14] =	ssyncadd.s32 $0xFFFFF000  }
0xf8: {  	_ =	swait.ge @!p0 [sflag:s23], $0x4000  }
0xf9: {  	[sflag:s23] =	ssyncset.done @!p0 $0x0  }
0xfa: {  	[sflag:s23] =	ssyncadd.s32 @!p0 $0xFFFFC000  }
0xfb: {  	v2 =	vld.idx.msk [tilespmem:v2+s15+$0x0], $0xffff;
	_ =	sdelay $0x4  }
0xfc: {  	v3 =	vadd.s32 v0, v2  }
0xfd: {  	s26 =	simm.s32 $0x0;
	v2 =	vadd.s32 v1, v2;
	v4 =	vand.u32 $0xFFFFFF80, v3  }
0xfe: {  	v5 =	vand.u32 $0xFFFFFF80, v2;
	v3 =	vand.u32 $0x7F, v3;
	v4 =	vadd.s32 s26, v4  }
0xff: {  	v2 =	vand.u32 $0x7F, v2;
	v5 =	vadd.s32 s26, v5;
	v3 =	vor.u32 v3, v4  }
0x100: {  	v4 =	vor.u32 v2, v5;
	_ =	sdelay $0x3  }
0x101: {  	s29 =	simm.s32 $0x4110;
	v2 =	vld.idx.msk [tilespmem:v3+s12+$0x0], $0xffff  }
0x102: {  	s30 =	simm.s32 $0x1;
	s31 =	simm.s32 $0x2;
	s28 =	sadd.s32 $0x1, s24;
	v3 =	vld.idx.msk [tilespmem:v4+s12+$0x0], $0xffff  }
0x103: {  	s23 =	sadd.s32 s24, s21;
	s26 =	sor.u32 $0x20, s24;
	v4 =	vmov s28;
	s28 =	simm.s32 $0x4110  }
.LBB2_8:
0x104: {  	_ = 	snop  }
0x105: {  	p0 =	sne.s32 s31, $0x1F  }
0x106: {  	s28 =	sadd.s32 $0x80, s28;
	s0 =	smov.u32 s31;
	s31 =	sadd.s32 $0x1, s31;
	[tilespmem:s29+$0xFFFFFFF0] =	vst v2  }
0x107: {  	[tilespmem:s29+$0x0] =	vst v3;
	s29 =	smov.u32 s28  }
0x108: {  	v2 =	vld.idx.msk [tilespmem:v4+s15+$0x0], $0xffff;
	_ =	sdelay $0x5  }
0x109: {  	v3 =	vadd.s32 v0, v2;
	v2 =	vadd.s32 v1, v2  }
0x10a: {  	s2 =	sshll.u32 s30, $0x7;
	s30 =	smov.u32 s0;
	v4 =	vand.u32 $0xFFFFFF80, v3;
	v5 =	vand.u32 $0xFFFFFF80, v2;
	v2 =	vand.u32 $0x7F, v2  }
0x10b: {  	v3 =	vand.u32 $0x7F, v3;
	v4 =	vadd.s32 s2, v4;
	v5 =	vadd.s32 s2, v5  }
0x10c: {  	v3 =	vor.u32 v3, v4;
	v4 =	vor.u32 v2, v5;
	_ =	sdelay $0x3  }
.Ltmp2:
0x10d: {  	(pc) =	sbr.rel @p0 .LBB2_8-.Ltmp2, $4  }
0x10e: {  	v2 =	vld.idx.msk [tilespmem:v3+s12+$0x0], $0xffff  }
0x10f: {  	v3 =	vld.idx.msk [tilespmem:v4+s12+$0x0], $0xffff  }
0x110: {  	s0 =	sadd.s32 s24, s30  }
0x111: {  	v4 =	vmov s0  }
0x112: {  	_ =	sdelay $0x1  }
0x113: {  	[tilespmem:s29+$0xFFFFFFF0] =	vst v2  }
0x114: {  	[tilespmem:s29+$0x0] =	vst v3  }
0x115: {  	v2 =	vld.idx.msk [tilespmem:v4+s15+$0x0], $0xffff;
	_ =	sdelay $0x4  }
0x116: {  	v3 =	vadd.s32 v0, v2  }
0x117: {  	s0 =	sshll.u32 s30, $0x7;
	v2 =	vadd.s32 v1, v2;
	v4 =	vand.u32 $0xFFFFFF80, v3  }
0x118: {  	v5 =	vand.u32 $0xFFFFFF80, v2;
	v3 =	vand.u32 $0x7F, v3;
	v4 =	vadd.s32 s0, v4  }
0x119: {  	v2 =	vand.u32 $0x7F, v2;
	v5 =	vadd.s32 s0, v5;
	v3 =	vor.u32 v3, v4  }
0x11a: {  	v2 =	vor.u32 v2, v5;
	_ =	sdelay $0x3  }
0x11b: {  	v3 =	vld.idx.msk [tilespmem:v3+s12+$0x0], $0xffff  }
0x11c: {  	v2 =	vld.idx.msk [tilespmem:v2+s12+$0x0], $0xffff;
	_ =	sdelay $0x2  }
0x11d: {  	s0 =	sadd.s32 $0x80, s28  }
0x11e: {  	s2 =	sadd.s32 $0x0, s26;
	[tilespmem:s0+$0xFFFFFFF0] =	vst v3  }
0x11f: {  	[tilespmem:s0+$0x0] =	vst v2;
	s0 =	sadd.s32 $0x840, s25;
	v2 =	vmov s2  }
0x120: {  	[tilespmem:s12], [sflag:$0x1] =	stream.indirect.gather [hbm4b:s4+s11], $0x80, s0, s11, $0xb8;
	[tilespmem:$0x8100] =	vst v63  }
0x121: {  	_ =	swait.ge [sflag:s16], $0x1000  }
0x122: {  	[sflag:s16] =	ssyncset.done $0x0  }
0x123: {  	[sflag:s16] =	ssyncadd.s32 $0xFFFFF000  }
0x124: {  	v2 =	vld.idx.msk [tilespmem:v2+s15+$0x0], $0xffff;
	_ =	sdelay $0x4  }
0x125: {  	v3 =	vadd.s32 v0, v2  }
0x126: {  	s2 =	simm.s32 $0x0;
	v2 =	vadd.s32 v1, v2;
	v4 =	vand.u32 $0xFFFFFF80, v3  }
0x127: {  	v5 =	vand.u32 $0xFFFFFF80, v2;
	v3 =	vand.u32 $0x7F, v3;
	v4 =	vadd.s32 s2, v4  }
0x128: {  	v2 =	vand.u32 $0x7F, v2;
	v5 =	vadd.s32 s2, v5;
	v3 =	vor.u32 v3, v4  }
0x129: {  	v4 =	vor.u32 v2, v5;
	_ =	sdelay $0x3  }
0x12a: {  	v2 =	vld.idx.msk [tilespmem:v3+s13+$0x0], $0xffff  }
0x12b: {  	s30 =	simm.s32 $0x1;
	s2 =	sadd.s32 $0x1, s26;
	v3 =	vld.idx.msk [tilespmem:v4+s13+$0x0], $0xffff  }
0x12c: {  	s31 =	simm.s32 $0x2;
	s29 =	simm.s32 $0x5110;
	s28 =	simm.s32 $0x5110;
	v4 =	vmov s2  }
.LBB2_10:
0x12d: {  	_ = 	snop  }
0x12e: {  	p0 =	sne.s32 s31, $0x1F  }
0x12f: {  	s28 =	sadd.s32 $0x80, s28;
	s0 =	smov.u32 s31;
	s31 =	sadd.s32 $0x1, s31;
	[tilespmem:s29+$0xFFFFFFF0] =	vst v2  }
0x130: {  	[tilespmem:s29+$0x0] =	vst v3;
	s29 =	smov.u32 s28  }
0x131: {  	v2 =	vld.idx.msk [tilespmem:v4+s15+$0x0], $0xffff;
	_ =	sdelay $0x5  }
0x132: {  	v3 =	vadd.s32 v0, v2;
	v2 =	vadd.s32 v1, v2  }
0x133: {  	s2 =	sshll.u32 s30, $0x7;
	s30 =	smov.u32 s0;
	v4 =	vand.u32 $0xFFFFFF80, v3;
	v5 =	vand.u32 $0xFFFFFF80, v2;
	v2 =	vand.u32 $0x7F, v2  }
0x134: {  	v3 =	vand.u32 $0x7F, v3;
	v4 =	vadd.s32 s2, v4;
	v5 =	vadd.s32 s2, v5  }
0x135: {  	v3 =	vor.u32 v3, v4;
	v4 =	vor.u32 v2, v5;
	_ =	sdelay $0x3  }
.Ltmp3:
0x136: {  	(pc) =	sbr.rel @p0 .LBB2_10-.Ltmp3, $4  }
0x137: {  	v2 =	vld.idx.msk [tilespmem:v3+s13+$0x0], $0xffff  }
0x138: {  	v3 =	vld.idx.msk [tilespmem:v4+s13+$0x0], $0xffff  }
0x139: {  	s0 =	sadd.s32 s26, s30  }
0x13a: {  	v4 =	vmov s0  }
0x13b: {  	_ =	sdelay $0x1  }
0x13c: {  	[tilespmem:s29+$0xFFFFFFF0] =	vst v2  }
0x13d: {  	[tilespmem:s29+$0x0] =	vst v3  }
0x13e: {  	v2 =	vld.idx.msk [tilespmem:v4+s15+$0x0], $0xffff;
	_ =	sdelay $0x4  }
0x13f: {  	v3 =	vadd.s32 v0, v2  }
0x140: {  	s0 =	sshll.u32 s30, $0x7;
	v2 =	vadd.s32 v1, v2;
	v4 =	vand.u32 $0xFFFFFF80, v3  }
0x141: {  	v5 =	vand.u32 $0xFFFFFF80, v2;
	v3 =	vand.u32 $0x7F, v3;
	v4 =	vadd.s32 s0, v4  }
0x142: {  	v2 =	vand.u32 $0x7F, v2;
	v5 =	vadd.s32 s0, v5;
	v3 =	vor.u32 v3, v4  }
0x143: {  	v2 =	vor.u32 v2, v5;
	_ =	sdelay $0x3  }
0x144: {  	v3 =	vld.idx.msk [tilespmem:v3+s13+$0x0], $0xffff  }
0x145: {  	v2 =	vld.idx.msk [tilespmem:v2+s13+$0x0], $0xffff;
	_ =	sdelay $0x2  }
0x146: {  	s31 =	sadd.s32 $0x80, s28;
	s26 =	sor.u32 $0x40, s24  }
0x147: {  	s2 =	sadd.s32 $0x0, s26;
	[tilespmem:s31+$0xFFFFFFF0] =	vst v3  }
0x148: {  	[tilespmem:s31+$0x0] =	vst v2;
	s31 =	sadd.s32 $0x860, s25;
	v2 =	vmov s2  }
0x149: {  	[tilespmem:s13], [sflag:$0x2] =	stream.indirect.gather [hbm4b:s4+s11], $0x80, s31, s11, $0xb8;
	[tilespmem:$0x8100] =	vst v63  }
0x14a: {  	_ =	swait.ge [sflag:s14], $0x1000  }
0x14b: {  	[sflag:s14] =	ssyncset.done $0x0  }
0x14c: {  	[sflag:s14] =	ssyncadd.s32 $0xFFFFF000  }
0x14d: {  	v2 =	vld.idx.msk [tilespmem:v2+s15+$0x0], $0xffff;
	_ =	sdelay $0x4  }
0x14e: {  	v3 =	vadd.s32 v0, v2  }
0x14f: {  	s25 =	simm.s32 $0x0;
	v2 =	vadd.s32 v1, v2;
	v4 =	vand.u32 $0xFFFFFF80, v3  }
0x150: {  	v5 =	vand.u32 $0xFFFFFF80, v2;
	v3 =	vand.u32 $0x7F, v3;
	v4 =	vadd.s32 s25, v4  }
0x151: {  	v2 =	vand.u32 $0x7F, v2;
	v5 =	vadd.s32 s25, v5;
	v3 =	vor.u32 v3, v4  }
0x152: {  	v4 =	vor.u32 v2, v5;
	_ =	sdelay $0x3  }
0x153: {  	v2 =	vld.idx.msk [tilespmem:v3+s12+$0x0], $0xffff  }
0x154: {  	s28 =	simm.s32 $0x6110;
	s31 =	sadd.s32 $0x1, s26;
	v3 =	vld.idx.msk [tilespmem:v4+s12+$0x0], $0xffff  }
0x155: {  	s30 =	simm.s32 $0x2;
	s29 =	simm.s32 $0x1;
	s25 =	simm.s32 $0x6110;
	v4 =	vmov s31  }
.LBB2_12:
0x156: {  	_ = 	snop  }
0x157: {  	p0 =	sne.s32 s30, $0x1F  }
0x158: {  	s25 =	sadd.s32 $0x80, s25;
	s0 =	smov.u32 s30;
	s30 =	sadd.s32 $0x1, s30;
	[tilespmem:s28+$0xFFFFFFF0] =	vst v2  }
0x159: {  	[tilespmem:s28+$0x0] =	vst v3;
	s28 =	smov.u32 s25  }
0x15a: {  	v2 =	vld.idx.msk [tilespmem:v4+s15+$0x0], $0xffff;
	_ =	sdelay $0x5  }
0x15b: {  	v3 =	vadd.s32 v0, v2;
	v2 =	vadd.s32 v1, v2  }
0x15c: {  	s2 =	sshll.u32 s29, $0x7;
	s29 =	smov.u32 s0;
	v4 =	vand.u32 $0xFFFFFF80, v3;
	v5 =	vand.u32 $0xFFFFFF80, v2;
	v2 =	vand.u32 $0x7F, v2  }
0x15d: {  	v3 =	vand.u32 $0x7F, v3;
	v4 =	vadd.s32 s2, v4;
	v5 =	vadd.s32 s2, v5  }
0x15e: {  	v3 =	vor.u32 v3, v4;
	v4 =	vor.u32 v2, v5;
	_ =	sdelay $0x3  }
.Ltmp4:
0x15f: {  	(pc) =	sbr.rel @p0 .LBB2_12-.Ltmp4, $4  }
0x160: {  	v2 =	vld.idx.msk [tilespmem:v3+s12+$0x0], $0xffff  }
0x161: {  	v3 =	vld.idx.msk [tilespmem:v4+s12+$0x0], $0xffff  }
0x162: {  	s0 =	sadd.s32 s26, s29  }
0x163: {  	v4 =	vmov s0  }
0x164: {  	_ =	sdelay $0x1  }
0x165: {  	[tilespmem:s28+$0xFFFFFFF0] =	vst v2  }
0x166: {  	[tilespmem:s28+$0x0] =	vst v3  }
0x167: {  	v2 =	vld.idx.msk [tilespmem:v4+s15+$0x0], $0xffff;
	_ =	sdelay $0x4  }
0x168: {  	v3 =	vadd.s32 v0, v2  }
0x169: {  	s0 =	sshll.u32 s29, $0x7;
	v2 =	vadd.s32 v1, v2;
	v4 =	vand.u32 $0xFFFFFF80, v3  }
0x16a: {  	v5 =	vand.u32 $0xFFFFFF80, v2;
	v3 =	vand.u32 $0x7F, v3;
	v4 =	vadd.s32 s0, v4  }
0x16b: {  	v2 =	vand.u32 $0x7F, v2;
	v5 =	vadd.s32 s0, v5;
	v3 =	vor.u32 v3, v4  }
0x16c: {  	v2 =	vor.u32 v2, v5;
	_ =	sdelay $0x3  }
0x16d: {  	v3 =	vld.idx.msk [tilespmem:v3+s12+$0x0], $0xffff  }
0x16e: {  	v2 =	vld.idx.msk [tilespmem:v2+s12+$0x0], $0xffff;
	_ =	sdelay $0x1  }
0x16f: {  	s24 =	sor.u32 $0x60, s24  }
0x170: {  	s26 =	sadd.s32 $0x80, s25;
	s2 =	sadd.s32 $0x0, s24  }
0x171: {  	[tilespmem:s26+$0xFFFFFFF0] =	vst v3;
	v3 =	vmov s2  }
0x172: {  	[tilespmem:s26+$0x0] =	vst v2  }
0x173: {  	_ =	swait.ge [sflag:s16], $0x1000  }
0x174: {  	[sflag:s16] =	ssyncset.done $0x0  }
0x175: {  	[sflag:s16] =	ssyncadd.s32 $0xFFFFF000  }
0x176: {  	v2 =	vld.idx.msk [tilespmem:v3+s15+$0x0], $0xffff;
	_ =	sdelay $0x4  }
0x177: {  	v3 =	vadd.s32 v0, v2  }
0x178: {  	s30 =	simm.s32 $0x0;
	v2 =	vadd.s32 v1, v2;
	v4 =	vand.u32 $0xFFFFFF80, v3  }
0x179: {  	v5 =	vand.u32 $0xFFFFFF80, v2;
	v3 =	vand.u32 $0x7F, v3;
	v4 =	vadd.s32 s30, v4  }
0x17a: {  	v2 =	vand.u32 $0x7F, v2;
	v5 =	vadd.s32 s30, v5;
	v3 =	vor.u32 v3, v4  }
0x17b: {  	v4 =	vor.u32 v2, v5;
	_ =	sdelay $0x3  }
0x17c: {  	v2 =	vld.idx.msk [tilespmem:v3+s13+$0x0], $0xffff  }
0x17d: {  	s29 =	simm.s32 $0x2;
	s31 =	sadd.s32 $0x1, s24;
	v3 =	vld.idx.msk [tilespmem:v4+s13+$0x0], $0xffff  }
0x17e: {  	s25 =	simm.s32 $0x7110;
	s28 =	simm.s32 $0x1;
	s26 =	simm.s32 $0x7110;
	v4 =	vmov s31  }
.LBB2_14:
0x17f: {  	_ = 	snop  }
0x180: {  	p0 =	sne.s32 s29, $0x1F  }
0x181: {  	s25 =	sadd.s32 $0x80, s25;
	s0 =	smov.u32 s29;
	s29 =	sadd.s32 $0x1, s29;
	[tilespmem:s26+$0xFFFFFFF0] =	vst v2  }
0x182: {  	[tilespmem:s26+$0x0] =	vst v3;
	s26 =	smov.u32 s25  }
0x183: {  	v2 =	vld.idx.msk [tilespmem:v4+s15+$0x0], $0xffff;
	_ =	sdelay $0x5  }
0x184: {  	v3 =	vadd.s32 v0, v2;
	v2 =	vadd.s32 v1, v2  }
0x185: {  	s2 =	sshll.u32 s28, $0x7;
	s28 =	smov.u32 s0;
	v4 =	vand.u32 $0xFFFFFF80, v3;
	v5 =	vand.u32 $0xFFFFFF80, v2;
	v2 =	vand.u32 $0x7F, v2  }
0x186: {  	v3 =	vand.u32 $0x7F, v3;
	v4 =	vadd.s32 s2, v4;
	v5 =	vadd.s32 s2, v5  }
0x187: {  	v3 =	vor.u32 v3, v4;
	v4 =	vor.u32 v2, v5;
	_ =	sdelay $0x3  }
.Ltmp5:
0x188: {  	(pc) =	sbr.rel @p0 .LBB2_14-.Ltmp5, $4  }
0x189: {  	v2 =	vld.idx.msk [tilespmem:v3+s13+$0x0], $0xffff  }
0x18a: {  	v3 =	vld.idx.msk [tilespmem:v4+s13+$0x0], $0xffff  }
0x18b: {  	s0 =	sadd.s32 s24, s28  }
0x18c: {  	v4 =	vmov s0  }
0x18d: {  	_ =	sdelay $0x1  }
0x18e: {  	[tilespmem:s26+$0xFFFFFFF0] =	vst v2  }
0x18f: {  	[tilespmem:s26+$0x0] =	vst v3  }
0x190: {  	v2 =	vld.idx.msk [tilespmem:v4+s15+$0x0], $0xffff;
	_ =	sdelay $0x4  }
0x191: {  	v3 =	vadd.s32 v0, v2  }
0x192: {  	s0 =	sshll.u32 s28, $0x7;
	v2 =	vadd.s32 v1, v2;
	v63 =	vand.u32 $0xFFFFFF80, v3  }
0x193: {  	v5 =	vand.u32 $0xFFFFFF80, v2;
	v3 =	vand.u32 $0x7F, v3;
	v4 =	vadd.s32 s0, v63  }
0x194: {  	v2 =	vand.u32 $0x7F, v2;
	v5 =	vadd.s32 s0, v5;
	v3 =	vor.u32 v3, v4  }
0x195: {  	v2 =	vor.u32 v2, v5;
	_ =	sdelay $0x3  }
0x196: {  	v3 =	vld.idx.msk [tilespmem:v3+s13+$0x0], $0xffff  }
0x197: {  	s22 =	sadd.s32 $0x1, s22;
	v2 =	vld.idx.msk [tilespmem:v2+s13+$0x0], $0xffff  }
0x198: {  	p0 =	sne.s32 s22, $0x19  }
.Ltmp6:
0x199: {  	_ = 	snop;
	(pc) =	sbr.rel @p0 .LBB2_7-.Ltmp6, $4  }
0x19a: {  	s30 =	sadd.s32 $0x80, s25  }
0x19b: {  	s2 =	sshll.u32 s23, $0x4;
	[tilespmem:s30+$0xFFFFFFF0] =	vst v3  }
0x19c: {  	s31 =	sadd.s32 s5, s2;
	[tilespmem:s30+$0x0] =	vst v2  }
0x19d: {  	[hbm4b:s31+s3] =	stream.linear.scatter [tilespmem:s17], [sflag:$0x3], $0x4000, $0x38;
	[tilespmem:$0x8100] =	vst v63  }
0x19e: {  	s20 =	sadd.s32 $0x1, s20  }
0x19f: {  	p0 =	sne.s32 s20, $0x8  }
.Ltmp7:
0x1a0: {  	_ = 	snop;
	(pc) =	sbr.rel @p0 .LBB2_2-.Ltmp7, $1  }
0x1a1: {  	_ =	sdelay $0x3  }
0x1a2: {  	s19 =	sadd.s32 $0x1, s19  }
0x1a3: {  	p0 =	sne.s32 s19, s9  }
.Ltmp8:
0x1a4: {  	_ = 	snop;
	(pc) =	sbr.rel @p0 .LBB2_1-.Ltmp8, $4  }
0x1a5: {  	_ = 	snop  }
0x1a6: {  	_ =	swait.ge [sflag:s18], $0x4000  }
0x1a7: {  	[sflag:s18] =	ssyncset.done $0x0  }
0x1a8: {  	[sflag:s18] =	ssyncadd.s32 $0xFFFFC000  }
0x1a9: {  	_ =	sfence.sel $0x180000  }
0x1aa: {  	[bflag:$0x0] =	sbarrier.arrive $0xFFFF  }
0x1ab: {  	_ =	strace $0x90000047  }
0x1ac: {  	s0 =	stileid.u32;
	[bflag:$0x2] =	sbarrier.arrive $0xFFFF  }
0x1ad: {  	p0 =	sne.s32 s0, $0x0;
	s0 =	rddreg [dreg:$0x2]  }
0x1ae: {  	s0 =	sadd.s32 @!p0 $0x100000, s0  }
0x1af: {  	[sflag:s0] =	ssyncadd.tile.s32 @!p0 $0x1;
	_ =	shalt  }
.Lfunc_end2:
_tile_overlayer_lowered:
.L_overlay_start_2:
0x1b0: {  	(tag) =	ssettag $0x2  }
0x1b1: {  	s0 =	rddreg [dreg:$0x0];
	s2 =	stileid.u32  }
0x1b2: {  	s1 =	rddreg [dreg:$0x1];
	p0 =	sne.s32 s2, $0x0  }
0x1b3: {  	s3 =	rddreg [dreg:$0x2];
	[bflag:$0x3] =	sbarrier.arrive $0xFFFF;
	s2 =	simm.s32 @!p0 $0x1C04  }
0x1b4: {  	[timem:s3], [sflag:s2] =	dma.local @!p0 [hbm:s0], s1  }
0x1b5: {  	s0 =	simm.s32 @!p0 $0x4  }
0x1b6: {  	_ =	swait.ge @!p0 [sflag:s0], s1  }
0x1b7: {  	s1 =	ssub.s32 @!p0 $0x0, s1;
	[sflag:s0] =	ssyncset.done @!p0 $0x0  }
0x1b8: {  	[sflag:s0] =	ssyncadd.s32 @!p0 s1  }
0x1b9: {  	[bflag:$0x3] =	sbarrier.arrive $0xFFFF  }
0x1ba: {  	_ =	shalt  }

</sc_bundles>
